<compile_context>
chip_gen: v7x
topology: tpu7x:2x2x1
jax: 0.10.2.dev20260603
libtpu: 0.0.44.dev20260713+nightly
codegen_flags: <defaults>
</compile_context>

<pallas_src>
import functools

import jax
import jax.numpy as jnp
from jax import lax
from jax.experimental import pallas as pl
from jax.experimental.pallas import tpu as pltpu
from jax.experimental.pallas import tpu_sc as plsc

L = 16
NC = 2
NS = 16
NW = NC * NS


def _build(rows, feats):
    rpw = rows // NW
    rbi = 8
    rbo = 4
    nb = rpw // rbi
    nch = feats // L

    mesh = plsc.VectorSubcoreMesh(core_axis_name="c", subcore_axis_name="s")

    @functools.partial(
        pl.kernel,
        out_type=(
            jax.ShapeDtypeStruct((rows, feats), jnp.float32),
            jax.ShapeDtypeStruct((rows,), jnp.float32),
        ),
        mesh=mesh,
        scratch_types=[
            pltpu.VMEM((2, rbi, feats), jnp.float32),
            pltpu.VMEM((2, rbo, feats), jnp.float32),
            pltpu.VMEM((rpw,), jnp.float32),
            pltpu.SemaphoreType.DMA,
            pltpu.SemaphoreType.DMA,
            pltpu.SemaphoreType.DMA,
            pltpu.SemaphoreType.DMA,
        ],
    )
    def rev_kernel(x_hbm, y_hbm, ld_hbm, in_v, out_v, zeros_v,
                   sin0, sin1, sout0, sout1):
        wid = lax.axis_index("s") * NC + lax.axis_index("c")
        base = wid * rpw
        sins = (sin0, sin1)
        souts = (sout0, sout1)

        zv = jnp.zeros((L,), jnp.float32)

        @plsc.parallel_loop(0, rpw // L)
        def _zfill(i):
            zeros_v[pl.ds(i * L, L)] = zv

        pltpu.sync_copy(zeros_v, ld_hbm.at[pl.ds(base, rpw)])

        def in_copy(g, b):
            return pltpu.async_copy(
                x_hbm.at[pl.ds(base + g * rbi, rbi)], in_v.at[b], sins[b])

        def out_copy(g, h):
            return pltpu.async_copy(
                out_v.at[h],
                y_hbm.at[pl.ds(base + g * rbi + h * rbo, rbo)], souts[h])

        in_copy(0, 0)

        @pl.loop(0, nb, step=2)
        def _blocks(g0):
            for b in range(2):
                g = g0 + b
                bn = (b + 1) % 2

                @pl.when(g + 1 < nb)
                def _prefetch():
                    in_copy(g + 1, bn)

                pltpu.make_async_copy(
                    x_hbm.at[pl.ds(base + g * rbi, rbi)],
                    in_v.at[b], sins[b]).wait()

                for h in range(2):
                    @pl.when(g >= 1)
                    def _drain():
                        pltpu.make_async_copy(
                            out_v.at[h],
                            y_hbm.at[pl.ds(base + g * rbi + h * rbo, rbo)],
                            souts[h]).wait()

                    for r in range(rbo):
                        @plsc.parallel_loop(0, nch, unroll=8)
                        def _chunk(j):
                            v = in_v[b, h * rbo + r,
                                     pl.ds((nch - 1 - j) * L, L)]
                            out_v[h, r, pl.ds(j * L, L)] = lax.rev(v, (0,))

                    out_copy(g, h)

        for h in range(2):
            pltpu.make_async_copy(
                out_v.at[h],
                y_hbm.at[pl.ds(base + (nb - 1) * rbi + h * rbo, rbo)],
                souts[h]).wait()

    return rev_kernel


def kernel(x, perm):
    rows, feats = x.shape
    y, logdet = _build(rows, feats)(x)
    return (y, logdet)

# --- scband reference (transcript-rebuilt; emitter-appended) ---
"""Pipeline reference for scband-reverse-permutation-82712480186456 (READ-ONLY COPY).

The authoritative reference and input builder live on the scoring server;
editing this copy changes nothing except your own understanding.
"""

import jax, jax.numpy as jnp
import numpy as np

FEATURES = 4096
ROWS = 8192

def setup_inputs(seed: int = 0) -> dict:
    key = jax.random.key(seed)
    x = jax.random.normal(key, (ROWS, FEATURES), dtype=jnp.float32)
    perm = jnp.arange(FEATURES - 1, -1, -1, dtype=jnp.int64)
    return {"x": x, "perm": perm}

def reference(x, perm):
    y = jnp.take(x, perm, axis=1)
    logdet = jnp.zeros((x.shape[0],), dtype=x.dtype)
    return (y, logdet)

if __name__ == "__main__":
    import jax
    _d = setup_inputs()
    print(jax.jit(kernel)(*tuple(_d.values())))

</pallas_src>

<mosaic_0001>
#map = affine_map<(d0, d1) -> (0, 0)>
#map1 = affine_map<(d0, d1) -> (0)>
module attributes {stable_mosaic.version = 14 : i64} {
  func.func @rev_kernel(%arg0: i32, %arg1: i32, %arg2: memref<8192x4096xf32, #tpu.memory_space<hbm>>, %arg3: memref<8192x4096xf32, #tpu.memory_space<hbm>>, %arg4: memref<8192xf32, #tpu.memory_space<hbm>>, %arg5: memref<2x8x4096xf32, #tpu.memory_space<vmem>>, %arg6: memref<2x4x4096xf32, #tpu.memory_space<vmem>>, %arg7: memref<256xf32, #tpu.memory_space<vmem>>, %arg8: memref<!tpu.dma_semaphore, #tpu.memory_space<semaphore_mem>>, %arg9: memref<!tpu.dma_semaphore, #tpu.memory_space<semaphore_mem>>, %arg10: memref<!tpu.dma_semaphore, #tpu.memory_space<semaphore_mem>>, %arg11: memref<!tpu.dma_semaphore, #tpu.memory_space<semaphore_mem>>) attributes {dimension_semantics = [#tpu.dimension_semantics<core_parallel>, #tpu.dimension_semantics<subcore_parallel>], iteration_bounds = array<i64: 2, 16>, scalar_prefetch = 0 : i64, scratch_operands = 7 : i64, tpu.core_type = #tpu.core_type<sc_vector_subcore>, window_params = [{transform_indices = #map}, {transform_indices = #map}, {transform_indices = #map1}]} {
    %mul3A = arith.constant 2 : i32
    %mul3A_0 = arith.muli %arg1, %mul3A : i32
    %add3A = arith.addi %mul3A_0, %arg0 : i32
    %mul3A_1 = arith.constant 256 : i32
    %mul3A_2 = arith.muli %add3A, %mul3A_1 : i32
    %broadcast_in_dim3A = arith.constant 0.000000e+00 : f32
    %broadcast_in_dim3A_3 = vector.broadcast %broadcast_in_dim3A : f32 to vector<16xf32>
    %parallel_loop3A = arith.constant 0 : i32
    %parallel_loop3A_4 = arith.constant 16 : i32
    %parallel_loop3A_5 = arith.constant 1 : i32
    scf.for %parallel_loop3A_57 = %parallel_loop3A to %parallel_loop3A_4 step %parallel_loop3A_5  : i32 {
      %parallel_loop3A_58 = arith.constant 16 : i32
      %parallel_loop3A_59 = arith.muli %parallel_loop3A_57, %parallel_loop3A_58 : i32
      %parallel_loop3A_60 = arith.index_cast %parallel_loop3A_59 : i32 to index
      %parallel_loop3A_61 = tpu.vector_load %arg7[%parallel_loop3A_60] {strides = array<i32>} : memref<256xf32, #tpu.memory_space<vmem>>, vector<16xf32>,
      %parallel_loop3A_62 = vector.shape_cast %parallel_loop3A_61 : vector<16xf32> to vector<16xf32>
      %parallel_loop3A_63 = vector.shape_cast %broadcast_in_dim3A_3 : vector<16xf32> to vector<16xf32>
      tpu.vector_store %arg7[%parallel_loop3A_60], %parallel_loop3A_63 {strides = array<i32>} : memref<256xf32, #tpu.memory_space<vmem>>, vector<16xf32>,
    } {sc.loop_unroll_factor = 1 : i64, sc.parallel_access}
    "tpu.region"() ({
      %run_scoped3A = tpu.sem_alloc : memref<!tpu.dma_semaphore, #tpu.memory_space<semaphore_mem>>
      %dma_start3A_57 = tpu.memref_slice %arg4[%mul3A_2] : memref<8192xf32, #tpu.memory_space<hbm>> -> memref<256xf32, #tpu.memory_space<hbm>>
      %dma_start3A_58 = tpu.memref_slice %arg4[%mul3A_2] : memref<8192xf32, #tpu.memory_space<hbm>> -> memref<256xf32, #tpu.memory_space<hbm>>
      tpu.enqueue_dma source(%arg7 : memref<256xf32, #tpu.memory_space<vmem>>) target(%dma_start3A_58 : memref<256xf32, #tpu.memory_space<hbm>>) target_semaphore(%run_scoped3A : memref<!tpu.dma_semaphore, #tpu.memory_space<semaphore_mem>>)
      %dma_wait3A_59 = tpu.memref_slice %arg4[%mul3A_2] : memref<8192xf32, #tpu.memory_space<hbm>> -> memref<256xf32, #tpu.memory_space<hbm>>
      %dma_wait3A_60 = tpu.memref_slice %arg4[%mul3A_2] : memref<8192xf32, #tpu.memory_space<hbm>> -> memref<256xf32, #tpu.memory_space<hbm>>
      tpu.wait_dma2 semaphore(%run_scoped3A : memref<!tpu.dma_semaphore, #tpu.memory_space<semaphore_mem>>) src(%arg7 : memref<256xf32, #tpu.memory_space<vmem>>) dst(%dma_wait3A_60 : memref<256xf32, #tpu.memory_space<hbm>>)
      tpu.yield
    }) : () -> ()
    %add3A_6 = arith.constant 0 : i32
    %add3A_7 = arith.addi %mul3A_2, %add3A_6 : i32
    %dma_start3A = arith.constant 0 : i32
    %dma_start3A_8 = arith.constant 0 : i32
    %dma_start3A_9 = arith.constant 0 : i32
    %dma_start3A_10 = tpu.memref_slice %arg5[%dma_start3A, %dma_start3A_8, %dma_start3A_9] : memref<2x8x4096xf32, #tpu.memory_space<vmem>> -> memref<1x8x4096xf32, #tpu.memory_space<vmem>>
    %dma_start3A_11 = tpu.memref_squeeze %dma_start3A_10 : memref<1x8x4096xf32, #tpu.memory_space<vmem>> -> memref<8x4096xf32, #tpu.memory_space<vmem>>
    %dma_start3A_12 = arith.constant 0 : i32
    %dma_start3A_13 = tpu.memref_slice %arg2[%add3A_7, %dma_start3A_12] : memref<8192x4096xf32, #tpu.memory_space<hbm>> -> memref<8x4096xf32, #tpu.memory_space<hbm>>
    %dma_start3A_14 = arith.constant 0 : i32
    %dma_start3A_15 = arith.constant 0 : i32
    %dma_start3A_16 = tpu.memref_slice %arg5[%dma_start3A, %dma_start3A_14, %dma_start3A_15] : memref<2x8x4096xf32, #tpu.memory_space<vmem>> -> memref<1x8x4096xf32, #tpu.memory_space<vmem>>
    %dma_start3A_17 = tpu.memref_squeeze %dma_start3A_16 : memref<1x8x4096xf32, #tpu.memory_space<vmem>> -> memref<8x4096xf32, #tpu.memory_space<vmem>>
    %dma_start3A_18 = arith.constant 0 : i32
    %dma_start3A_19 = tpu.memref_slice %arg2[%add3A_7, %dma_start3A_18] : memref<8192x4096xf32, #tpu.memory_space<hbm>> -> memref<8x4096xf32, #tpu.memory_space<hbm>>
    tpu.enqueue_dma source(%dma_start3A_19 : memref<8x4096xf32, #tpu.memory_space<hbm>>) target(%dma_start3A_17 : memref<8x4096xf32, #tpu.memory_space<vmem>>) target_semaphore(%arg8 : memref<!tpu.dma_semaphore, #tpu.memory_space<semaphore_mem>>)
    %scan3A = arith.constant 0 : i32
    %scan3A_20 = arith.constant 16 : i32
    %scan3A_21 = arith.addi %scan3A, %scan3A_20 : i32
    %scan3A_22 = arith.constant 1 : i32
    scf.for %scan3A_57 = %scan3A to %scan3A_21 step %scan3A_22  : i32 {
      %mul3A_58 = arith.constant 2 : i32
      %mul3A_59 = arith.muli %scan3A_57, %mul3A_58 : i32
      %add3A_60 = arith.constant 0 : i32
      %add3A_61 = arith.addi %add3A_60, %mul3A_59 : i32
      %add3A_62 = arith.constant 0 : i32
      %add3A_63 = arith.addi %add3A_61, %add3A_62 : i32
      %add3A_64 = arith.constant 1 : i32
      %add3A_65 = arith.addi %add3A_63, %add3A_64 : i32
      %lt3A = arith.constant 32 : i32
      %lt3A_66 = arith.cmpi slt, %add3A_65, %lt3A : i32
      %convert_element_type3A = arith.extui %lt3A_66 : i1 to i32
      %cond3A = arith.constant 0 : i32
      %cond3A_67 = arith.cmpi ne, %convert_element_type3A, %cond3A : i32
      scf.if %cond3A_67 {
        %add3A_248 = arith.constant 1 : i32
        %add3A_249 = arith.addi %add3A_63, %add3A_248 : i32
        %mul3A_250 = arith.constant 8 : i32
        %mul3A_251 = arith.muli %add3A_249, %mul3A_250 : i32
        %add3A_252 = arith.addi %mul3A_2, %mul3A_251 : i32
        %dma_start3A_253 = arith.constant 1 : i32
        %dma_start3A_254 = arith.constant 0 : i32
        %dma_start3A_255 = arith.constant 0 : i32
        %dma_start3A_256 = tpu.memref_slice %arg5[%dma_start3A_253, %dma_start3A_254, %dma_start3A_255] : memref<2x8x4096xf32, #tpu.memory_space<vmem>> -> memref<1x8x4096xf32, #tpu.memory_space<vmem>>
        %dma_start3A_257 = tpu.memref_squeeze %dma_start3A_256 : memref<1x8x4096xf32, #tpu.memory_space<vmem>> -> memref<8x4096xf32, #tpu.memory_space<vmem>>
        %dma_start3A_258 = arith.constant 0 : i32
        %dma_start3A_259 = tpu.memref_slice %arg2[%add3A_252, %dma_start3A_258] : memref<8192x4096xf32, #tpu.memory_space<hbm>> -> memref<8x4096xf32, #tpu.memory_space<hbm>>
        %dma_start3A_260 = arith.constant 0 : i32
        %dma_start3A_261 = arith.constant 0 : i32
        %dma_start3A_262 = tpu.memref_slice %arg5[%dma_start3A_253, %dma_start3A_260, %dma_start3A_261] : memref<2x8x4096xf32, #tpu.memory_space<vmem>> -> memref<1x8x4096xf32, #tpu.memory_space<vmem>>
        %dma_start3A_263 = tpu.memref_squeeze %dma_start3A_262 : memref<1x8x4096xf32, #tpu.memory_space<vmem>> -> memref<8x4096xf32, #tpu.memory_space<vmem>>
        %dma_start3A_264 = arith.constant 0 : i32
        %dma_start3A_265 = tpu.memref_slice %arg2[%add3A_252, %dma_start3A_264] : memref<8192x4096xf32, #tpu.memory_space<hbm>> -> memref<8x4096xf32, #tpu.memory_space<hbm>>
        tpu.enqueue_dma source(%dma_start3A_265 : memref<8x4096xf32, #tpu.memory_space<hbm>>) target(%dma_start3A_263 : memref<8x4096xf32, #tpu.memory_space<vmem>>) target_semaphore(%arg9 : memref<!tpu.dma_semaphore, #tpu.memory_space<semaphore_mem>>)
      } else {
      }
      %mul3A_68 = arith.constant 8 : i32
      %mul3A_69 = arith.muli %add3A_63, %mul3A_68 : i32
      %add3A_70 = arith.addi %mul3A_2, %mul3A_69 : i32
      %dma_wait3A_71 = arith.constant 0 : i32
      %dma_wait3A_72 = arith.constant 0 : i32
      %dma_wait3A_73 = arith.constant 0 : i32
      %dma_wait3A_74 = tpu.memref_slice %arg5[%dma_wait3A_71, %dma_wait3A_72, %dma_wait3A_73] : memref<2x8x4096xf32, #tpu.memory_space<vmem>> -> memref<1x8x4096xf32, #tpu.memory_space<vmem>>
      %dma_wait3A_75 = tpu.memref_squeeze %dma_wait3A_74 : memref<1x8x4096xf32, #tpu.memory_space<vmem>> -> memref<8x4096xf32, #tpu.memory_space<vmem>>
      %dma_wait3A_76 = arith.constant 0 : i32
      %dma_wait3A_77 = tpu.memref_slice %arg2[%add3A_70, %dma_wait3A_76] : memref<8192x4096xf32, #tpu.memory_space<hbm>> -> memref<8x4096xf32, #tpu.memory_space<hbm>>
      %dma_wait3A_78 = arith.constant 0 : i32
      %dma_wait3A_79 = arith.constant 0 : i32
      %dma_wait3A_80 = tpu.memref_slice %arg5[%dma_wait3A_71, %dma_wait3A_78, %dma_wait3A_79] : memref<2x8x4096xf32, #tpu.memory_space<vmem>> -> memref<1x8x4096xf32, #tpu.memory_space<vmem>>
      %dma_wait3A_81 = tpu.memref_squeeze %dma_wait3A_80 : memref<1x8x4096xf32, #tpu.memory_space<vmem>> -> memref<8x4096xf32, #tpu.memory_space<vmem>>
      %dma_wait3A_82 = arith.constant 0 : i32
      %dma_wait3A_83 = tpu.memref_slice %arg2[%add3A_70, %dma_wait3A_82] : memref<8192x4096xf32, #tpu.memory_space<hbm>> -> memref<8x4096xf32, #tpu.memory_space<hbm>>
      tpu.wait_dma2 semaphore(%arg8 : memref<!tpu.dma_semaphore, #tpu.memory_space<semaphore_mem>>) src(%dma_wait3A_83 : memref<8x4096xf32, #tpu.memory_space<hbm>>) dst(%dma_wait3A_81 : memref<8x4096xf32, #tpu.memory_space<vmem>>)
      %ge3A = arith.constant 1 : i32
      %ge3A_84 = arith.cmpi sge, %add3A_63, %ge3A : i32
      %convert_element_type3A_85 = arith.extui %ge3A_84 : i1 to i32
      %cond3A_86 = arith.constant 0 : i32
      %cond3A_87 = arith.cmpi ne, %convert_element_type3A_85, %cond3A_86 : i32
      scf.if %cond3A_87 {
        %mul3A_248 = arith.constant 8 : i32
        %mul3A_249 = arith.muli %add3A_63, %mul3A_248 : i32
        %add3A_250 = arith.addi %mul3A_2, %mul3A_249 : i32
        %add3A_251 = arith.constant 0 : i32
        %add3A_252 = arith.addi %add3A_250, %add3A_251 : i32
        %dma_wait3A_253 = arith.constant 0 : i32
        %dma_wait3A_254 = arith.constant 0 : i32
        %dma_wait3A_255 = arith.constant 0 : i32
        %dma_wait3A_256 = tpu.memref_slice %arg6[%dma_wait3A_253, %dma_wait3A_254, %dma_wait3A_255] : memref<2x4x4096xf32, #tpu.memory_space<vmem>> -> memref<1x4x4096xf32, #tpu.memory_space<vmem>>
        %dma_wait3A_257 = tpu.memref_squeeze %dma_wait3A_256 : memref<1x4x4096xf32, #tpu.memory_space<vmem>> -> memref<4x4096xf32, #tpu.memory_space<vmem>>
        %dma_wait3A_258 = arith.constant 0 : i32
        %dma_wait3A_259 = tpu.memref_slice %arg3[%add3A_252, %dma_wait3A_258] : memref<8192x4096xf32, #tpu.memory_space<hbm>> -> memref<4x4096xf32, #tpu.memory_space<hbm>>
        %dma_wait3A_260 = arith.constant 0 : i32
        %dma_wait3A_261 = tpu.memref_slice %arg3[%add3A_252, %dma_wait3A_260] : memref<8192x4096xf32, #tpu.memory_space<hbm>> -> memref<4x4096xf32, #tpu.memory_space<hbm>>
        %dma_wait3A_262 = arith.constant 0 : i32
        %dma_wait3A_263 = arith.constant 0 : i32
        %dma_wait3A_264 = tpu.memref_slice %arg6[%dma_wait3A_253, %dma_wait3A_262, %dma_wait3A_263] : memref<2x4x4096xf32, #tpu.memory_space<vmem>> -> memref<1x4x4096xf32, #tpu.memory_space<vmem>>
        %dma_wait3A_265 = tpu.memref_squeeze %dma_wait3A_264 : memref<1x4x4096xf32, #tpu.memory_space<vmem>> -> memref<4x4096xf32, #tpu.memory_space<vmem>>
        tpu.wait_dma2 semaphore(%arg10 : memref<!tpu.dma_semaphore, #tpu.memory_space<semaphore_mem>>) src(%dma_wait3A_265 : memref<4x4096xf32, #tpu.memory_space<vmem>>) dst(%dma_wait3A_261 : memref<4x4096xf32, #tpu.memory_space<hbm>>)
      } else {
      }
      %parallel_loop3A_88 = arith.constant 0 : i32
      %parallel_loop3A_89 = arith.constant 256 : i32
      %parallel_loop3A_90 = arith.constant 1 : i32
      scf.for %parallel_loop3A_248 = %parallel_loop3A_88 to %parallel_loop3A_89 step %parallel_loop3A_90  : i32 {
        %parallel_loop3A_249 = arith.constant 255 : i32
        %parallel_loop3A_250 = arith.subi %parallel_loop3A_249, %parallel_loop3A_248 : i32
        %parallel_loop3A_251 = arith.constant 16 : i32
        %parallel_loop3A_252 = arith.muli %parallel_loop3A_250, %parallel_loop3A_251 : i32
        %parallel_loop3A_253 = arith.constant 0 : i32
        %parallel_loop3A_254 = arith.constant 0 : i32
        %parallel_loop3A_255 = arith.index_cast %parallel_loop3A_253 : i32 to index
        %parallel_loop3A_256 = arith.index_cast %parallel_loop3A_254 : i32 to index
        %parallel_loop3A_257 = arith.index_cast %parallel_loop3A_252 : i32 to index
        %parallel_loop3A_258 = tpu.vector_load %arg5[%parallel_loop3A_255, %parallel_loop3A_256, %parallel_loop3A_257] {strides = array<i32>} : memref<2x8x4096xf32, #tpu.memory_space<vmem>>, vector<1x1x16xf32>,
        %parallel_loop3A_259 = vector.shape_cast %parallel_loop3A_258 : vector<1x1x16xf32> to vector<16xf32>
        %parallel_loop3A_260 = arith.constant 15 : i32
        %parallel_loop3A_261 = vector.broadcast %parallel_loop3A_260 : i32 to vector<16xi32>
        %parallel_loop3A_262 = tpu.iota {dimensions = array<i32: 0>} : vector<16xi32>
        %parallel_loop3A_263 = arith.subi %parallel_loop3A_261, %parallel_loop3A_262 : vector<16xi32>
        %parallel_loop3A_264 = tpu.dynamic_gather %parallel_loop3A_259[%parallel_loop3A_263] in [0] : vector<16xf32>, vector<16xi32> -> vector<16xf32>
        %parallel_loop3A_265 = arith.constant 16 : i32
        %parallel_loop3A_266 = arith.muli %parallel_loop3A_248, %parallel_loop3A_265 : i32
        %parallel_loop3A_267 = arith.constant 0 : i32
        %parallel_loop3A_268 = arith.constant 0 : i32
        %parallel_loop3A_269 = arith.index_cast %parallel_loop3A_267 : i32 to index
        %parallel_loop3A_270 = arith.index_cast %parallel_loop3A_268 : i32 to index
        %parallel_loop3A_271 = arith.index_cast %parallel_loop3A_266 : i32 to index
        %parallel_loop3A_272 = tpu.vector_load %arg6[%parallel_loop3A_269, %parallel_loop3A_270, %parallel_loop3A_271] {strides = array<i32>} : memref<2x4x4096xf32, #tpu.memory_space<vmem>>, vector<1x1x16xf32>,
        %parallel_loop3A_273 = vector.shape_cast %parallel_loop3A_272 : vector<1x1x16xf32> to vector<16xf32>
        %parallel_loop3A_274 = vector.shape_cast %parallel_loop3A_264 : vector<16xf32> to vector<1x1x16xf32>
        tpu.vector_store %arg6[%parallel_loop3A_269, %parallel_loop3A_270, %parallel_loop3A_271], %parallel_loop3A_274 {strides = array<i32>} : memref<2x4x4096xf32, #tpu.memory_space<vmem>>, vector<1x1x16xf32>,
      } {sc.loop_unroll_factor = 8 : i64, sc.parallel_access}
      %parallel_loop3A_91 = arith.constant 0 : i32
      %parallel_loop3A_92 = arith.constant 256 : i32
      %parallel_loop3A_93 = arith.constant 1 : i32
      scf.for %parallel_loop3A_248 = %parallel_loop3A_91 to %parallel_loop3A_92 step %parallel_loop3A_93  : i32 {
        %parallel_loop3A_249 = arith.constant 255 : i32
        %parallel_loop3A_250 = arith.subi %parallel_loop3A_249, %parallel_loop3A_248 : i32
        %parallel_loop3A_251 = arith.constant 16 : i32
        %parallel_loop3A_252 = arith.muli %parallel_loop3A_250, %parallel_loop3A_251 : i32
        %parallel_loop3A_253 = arith.constant 0 : i32
        %parallel_loop3A_254 = arith.constant 1 : i32
        %parallel_loop3A_255 = arith.index_cast %parallel_loop3A_253 : i32 to index
        %parallel_loop3A_256 = arith.index_cast %parallel_loop3A_254 : i32 to index
        %parallel_loop3A_257 = arith.index_cast %parallel_loop3A_252 : i32 to index
        %parallel_loop3A_258 = tpu.vector_load %arg5[%parallel_loop3A_255, %parallel_loop3A_256, %parallel_loop3A_257] {strides = array<i32>} : memref<2x8x4096xf32, #tpu.memory_space<vmem>>, vector<1x1x16xf32>,
        %parallel_loop3A_259 = vector.shape_cast %parallel_loop3A_258 : vector<1x1x16xf32> to vector<16xf32>
        %parallel_loop3A_260 = arith.constant 15 : i32
        %parallel_loop3A_261 = vector.broadcast %parallel_loop3A_260 : i32 to vector<16xi32>
        %parallel_loop3A_262 = tpu.iota {dimensions = array<i32: 0>} : vector<16xi32>
        %parallel_loop3A_263 = arith.subi %parallel_loop3A_261, %parallel_loop3A_262 : vector<16xi32>
        %parallel_loop3A_264 = tpu.dynamic_gather %parallel_loop3A_259[%parallel_loop3A_263] in [0] : vector<16xf32>, vector<16xi32> -> vector<16xf32>
        %parallel_loop3A_265 = arith.constant 16 : i32
        %parallel_loop3A_266 = arith.muli %parallel_loop3A_248, %parallel_loop3A_265 : i32
        %parallel_loop3A_267 = arith.constant 0 : i32
        %parallel_loop3A_268 = arith.constant 1 : i32
        %parallel_loop3A_269 = arith.index_cast %parallel_loop3A_267 : i32 to index
        %parallel_loop3A_270 = arith.index_cast %parallel_loop3A_268 : i32 to index
        %parallel_loop3A_271 = arith.index_cast %parallel_loop3A_266 : i32 to index
        %parallel_loop3A_272 = tpu.vector_load %arg6[%parallel_loop3A_269, %parallel_loop3A_270, %parallel_loop3A_271] {strides = array<i32>} : memref<2x4x4096xf32, #tpu.memory_space<vmem>>, vector<1x1x16xf32>,
        %parallel_loop3A_273 = vector.shape_cast %parallel_loop3A_272 : vector<1x1x16xf32> to vector<16xf32>
        %parallel_loop3A_274 = vector.shape_cast %parallel_loop3A_264 : vector<16xf32> to vector<1x1x16xf32>
        tpu.vector_store %arg6[%parallel_loop3A_269, %parallel_loop3A_270, %parallel_loop3A_271], %parallel_loop3A_274 {strides = array<i32>} : memref<2x4x4096xf32, #tpu.memory_space<vmem>>, vector<1x1x16xf32>,
      } {sc.loop_unroll_factor = 8 : i64, sc.parallel_access}
      %parallel_loop3A_94 = arith.constant 0 : i32
      %parallel_loop3A_95 = arith.constant 256 : i32
      %parallel_loop3A_96 = arith.constant 1 : i32
      scf.for %parallel_loop3A_248 = %parallel_loop3A_94 to %parallel_loop3A_95 step %parallel_loop3A_96  : i32 {
        %parallel_loop3A_249 = arith.constant 255 : i32
        %parallel_loop3A_250 = arith.subi %parallel_loop3A_249, %parallel_loop3A_248 : i32
        %parallel_loop3A_251 = arith.constant 16 : i32
        %parallel_loop3A_252 = arith.muli %parallel_loop3A_250, %parallel_loop3A_251 : i32
        %parallel_loop3A_253 = arith.constant 0 : i32
        %parallel_loop3A_254 = arith.constant 2 : i32
        %parallel_loop3A_255 = arith.index_cast %parallel_loop3A_253 : i32 to index
        %parallel_loop3A_256 = arith.index_cast %parallel_loop3A_254 : i32 to index
        %parallel_loop3A_257 = arith.index_cast %parallel_loop3A_252 : i32 to index
        %parallel_loop3A_258 = tpu.vector_load %arg5[%parallel_loop3A_255, %parallel_loop3A_256, %parallel_loop3A_257] {strides = array<i32>} : memref<2x8x4096xf32, #tpu.memory_space<vmem>>, vector<1x1x16xf32>,
        %parallel_loop3A_259 = vector.shape_cast %parallel_loop3A_258 : vector<1x1x16xf32> to vector<16xf32>
        %parallel_loop3A_260 = arith.constant 15 : i32
        %parallel_loop3A_261 = vector.broadcast %parallel_loop3A_260 : i32 to vector<16xi32>
        %parallel_loop3A_262 = tpu.iota {dimensions = array<i32: 0>} : vector<16xi32>
        %parallel_loop3A_263 = arith.subi %parallel_loop3A_261, %parallel_loop3A_262 : vector<16xi32>
        %parallel_loop3A_264 = tpu.dynamic_gather %parallel_loop3A_259[%parallel_loop3A_263] in [0] : vector<16xf32>, vector<16xi32> -> vector<16xf32>
        %parallel_loop3A_265 = arith.constant 16 : i32
        %parallel_loop3A_266 = arith.muli %parallel_loop3A_248, %parallel_loop3A_265 : i32
        %parallel_loop3A_267 = arith.constant 0 : i32
        %parallel_loop3A_268 = arith.constant 2 : i32
        %parallel_loop3A_269 = arith.index_cast %parallel_loop3A_267 : i32 to index
        %parallel_loop3A_270 = arith.index_cast %parallel_loop3A_268 : i32 to index
        %parallel_loop3A_271 = arith.index_cast %parallel_loop3A_266 : i32 to index
        %parallel_loop3A_272 = tpu.vector_load %arg6[%parallel_loop3A_269, %parallel_loop3A_270, %parallel_loop3A_271] {strides = array<i32>} : memref<2x4x4096xf32, #tpu.memory_space<vmem>>, vector<1x1x16xf32>,
        %parallel_loop3A_273 = vector.shape_cast %parallel_loop3A_272 : vector<1x1x16xf32> to vector<16xf32>
        %parallel_loop3A_274 = vector.shape_cast %parallel_loop3A_264 : vector<16xf32> to vector<1x1x16xf32>
        tpu.vector_store %arg6[%parallel_loop3A_269, %parallel_loop3A_270, %parallel_loop3A_271], %parallel_loop3A_274 {strides = array<i32>} : memref<2x4x4096xf32, #tpu.memory_space<vmem>>, vector<1x1x16xf32>,
      } {sc.loop_unroll_factor = 8 : i64, sc.parallel_access}
      %parallel_loop3A_97 = arith.constant 0 : i32
      %parallel_loop3A_98 = arith.constant 256 : i32
      %parallel_loop3A_99 = arith.constant 1 : i32
      scf.for %parallel_loop3A_248 = %parallel_loop3A_97 to %parallel_loop3A_98 step %parallel_loop3A_99  : i32 {
        %parallel_loop3A_249 = arith.constant 255 : i32
        %parallel_loop3A_250 = arith.subi %parallel_loop3A_249, %parallel_loop3A_248 : i32
        %parallel_loop3A_251 = arith.constant 16 : i32
        %parallel_loop3A_252 = arith.muli %parallel_loop3A_250, %parallel_loop3A_251 : i32
        %parallel_loop3A_253 = arith.constant 0 : i32
        %parallel_loop3A_254 = arith.constant 3 : i32
        %parallel_loop3A_255 = arith.index_cast %parallel_loop3A_253 : i32 to index
        %parallel_loop3A_256 = arith.index_cast %parallel_loop3A_254 : i32 to index
        %parallel_loop3A_257 = arith.index_cast %parallel_loop3A_252 : i32 to index
        %parallel_loop3A_258 = tpu.vector_load %arg5[%parallel_loop3A_255, %parallel_loop3A_256, %parallel_loop3A_257] {strides = array<i32>} : memref<2x8x4096xf32, #tpu.memory_space<vmem>>, vector<1x1x16xf32>,
        %parallel_loop3A_259 = vector.shape_cast %parallel_loop3A_258 : vector<1x1x16xf32> to vector<16xf32>
        %parallel_loop3A_260 = arith.constant 15 : i32
        %parallel_loop3A_261 = vector.broadcast %parallel_loop3A_260 : i32 to vector<16xi32>
        %parallel_loop3A_262 = tpu.iota {dimensions = array<i32: 0>} : vector<16xi32>
        %parallel_loop3A_263 = arith.subi %parallel_loop3A_261, %parallel_loop3A_262 : vector<16xi32>
        %parallel_loop3A_264 = tpu.dynamic_gather %parallel_loop3A_259[%parallel_loop3A_263] in [0] : vector<16xf32>, vector<16xi32> -> vector<16xf32>
        %parallel_loop3A_265 = arith.constant 16 : i32
        %parallel_loop3A_266 = arith.muli %parallel_loop3A_248, %parallel_loop3A_265 : i32
        %parallel_loop3A_267 = arith.constant 0 : i32
        %parallel_loop3A_268 = arith.constant 3 : i32
        %parallel_loop3A_269 = arith.index_cast %parallel_loop3A_267 : i32 to index
        %parallel_loop3A_270 = arith.index_cast %parallel_loop3A_268 : i32 to index
        %parallel_loop3A_271 = arith.index_cast %parallel_loop3A_266 : i32 to index
        %parallel_loop3A_272 = tpu.vector_load %arg6[%parallel_loop3A_269, %parallel_loop3A_270, %parallel_loop3A_271] {strides = array<i32>} : memref<2x4x4096xf32, #tpu.memory_space<vmem>>, vector<1x1x16xf32>,
        %parallel_loop3A_273 = vector.shape_cast %parallel_loop3A_272 : vector<1x1x16xf32> to vector<16xf32>
        %parallel_loop3A_274 = vector.shape_cast %parallel_loop3A_264 : vector<16xf32> to vector<1x1x16xf32>
        tpu.vector_store %arg6[%parallel_loop3A_269, %parallel_loop3A_270, %parallel_loop3A_271], %parallel_loop3A_274 {strides = array<i32>} : memref<2x4x4096xf32, #tpu.memory_space<vmem>>, vector<1x1x16xf32>,
      } {sc.loop_unroll_factor = 8 : i64, sc.parallel_access}
      %mul3A_100 = arith.constant 8 : i32
      %mul3A_101 = arith.muli %add3A_63, %mul3A_100 : i32
      %add3A_102 = arith.addi %mul3A_2, %mul3A_101 : i32
      %add3A_103 = arith.constant 0 : i32
      %add3A_104 = arith.addi %add3A_102, %add3A_103 : i32
      %dma_start3A_105 = arith.constant 0 : i32
      %dma_start3A_106 = arith.constant 0 : i32
      %dma_start3A_107 = arith.constant 0 : i32
      %dma_start3A_108 = tpu.memref_slice %arg6[%dma_start3A_105, %dma_start3A_106, %dma_start3A_107] : memref<2x4x4096xf32, #tpu.memory_space<vmem>> -> memref<1x4x4096xf32, #tpu.memory_space<vmem>>
      %dma_start3A_109 = tpu.memref_squeeze %dma_start3A_108 : memref<1x4x4096xf32, #tpu.memory_space<vmem>> -> memref<4x4096xf32, #tpu.memory_space<vmem>>
      %dma_start3A_110 = arith.constant 0 : i32
      %dma_start3A_111 = tpu.memref_slice %arg3[%add3A_104, %dma_start3A_110] : memref<8192x4096xf32, #tpu.memory_space<hbm>> -> memref<4x4096xf32, #tpu.memory_space<hbm>>
      %dma_start3A_112 = arith.constant 0 : i32
      %dma_start3A_113 = tpu.memref_slice %arg3[%add3A_104, %dma_start3A_112] : memref<8192x4096xf32, #tpu.memory_space<hbm>> -> memref<4x4096xf32, #tpu.memory_space<hbm>>
      %dma_start3A_114 = arith.constant 0 : i32
      %dma_start3A_115 = arith.constant 0 : i32
      %dma_start3A_116 = tpu.memref_slice %arg6[%dma_start3A_105, %dma_start3A_114, %dma_start3A_115] : memref<2x4x4096xf32, #tpu.memory_space<vmem>> -> memref<1x4x4096xf32, #tpu.memory_space<vmem>>
      %dma_start3A_117 = tpu.memref_squeeze %dma_start3A_116 : memref<1x4x4096xf32, #tpu.memory_space<vmem>> -> memref<4x4096xf32, #tpu.memory_space<vmem>>
      tpu.enqueue_dma source(%dma_start3A_117 : memref<4x4096xf32, #tpu.memory_space<vmem>>) target(%dma_start3A_113 : memref<4x4096xf32, #tpu.memory_space<hbm>>) target_semaphore(%arg10 : memref<!tpu.dma_semaphore, #tpu.memory_space<semaphore_mem>>)
      %ge3A_118 = arith.constant 1 : i32
      %ge3A_119 = arith.cmpi sge, %add3A_63, %ge3A_118 : i32
      %convert_element_type3A_120 = arith.extui %ge3A_119 : i1 to i32
      %cond3A_121 = arith.constant 0 : i32
      %cond3A_122 = arith.cmpi ne, %convert_element_type3A_120, %cond3A_121 : i32
      scf.if %cond3A_122 {
        %mul3A_248 = arith.constant 8 : i32
        %mul3A_249 = arith.muli %add3A_63, %mul3A_248 : i32
        %add3A_250 = arith.addi %mul3A_2, %mul3A_249 : i32
        %add3A_251 = arith.constant 4 : i32
        %add3A_252 = arith.addi %add3A_250, %add3A_251 : i32
        %dma_wait3A_253 = arith.constant 1 : i32
        %dma_wait3A_254 = arith.constant 0 : i32
        %dma_wait3A_255 = arith.constant 0 : i32
        %dma_wait3A_256 = tpu.memref_slice %arg6[%dma_wait3A_253, %dma_wait3A_254, %dma_wait3A_255] : memref<2x4x4096xf32, #tpu.memory_space<vmem>> -> memref<1x4x4096xf32, #tpu.memory_space<vmem>>
        %dma_wait3A_257 = tpu.memref_squeeze %dma_wait3A_256 : memref<1x4x4096xf32, #tpu.memory_space<vmem>> -> memref<4x4096xf32, #tpu.memory_space<vmem>>
        %dma_wait3A_258 = arith.constant 0 : i32
        %dma_wait3A_259 = tpu.memref_slice %arg3[%add3A_252, %dma_wait3A_258] : memref<8192x4096xf32, #tpu.memory_space<hbm>> -> memref<4x4096xf32, #tpu.memory_space<hbm>>
        %dma_wait3A_260 = arith.constant 0 : i32
        %dma_wait3A_261 = tpu.memref_slice %arg3[%add3A_252, %dma_wait3A_260] : memref<8192x4096xf32, #tpu.memory_space<hbm>> -> memref<4x4096xf32, #tpu.memory_space<hbm>>
        %dma_wait3A_262 = arith.constant 0 : i32
        %dma_wait3A_263 = arith.constant 0 : i32
        %dma_wait3A_264 = tpu.memref_slice %arg6[%dma_wait3A_253, %dma_wait3A_262, %dma_wait3A_263] : memref<2x4x4096xf32, #tpu.memory_space<vmem>> -> memref<1x4x4096xf32, #tpu.memory_space<vmem>>
        %dma_wait3A_265 = tpu.memref_squeeze %dma_wait3A_264 : memref<1x4x4096xf32, #tpu.memory_space<vmem>> -> memref<4x4096xf32, #tpu.memory_space<vmem>>
        tpu.wait_dma2 semaphore(%arg11 : memref<!tpu.dma_semaphore, #tpu.memory_space<semaphore_mem>>) src(%dma_wait3A_265 : memref<4x4096xf32, #tpu.memory_space<vmem>>) dst(%dma_wait3A_261 : memref<4x4096xf32, #tpu.memory_space<hbm>>)
      } else {
      }
      %parallel_loop3A_123 = arith.constant 0 : i32
      %parallel_loop3A_124 = arith.constant 256 : i32
      %parallel_loop3A_125 = arith.constant 1 : i32
      scf.for %parallel_loop3A_248 = %parallel_loop3A_123 to %parallel_loop3A_124 step %parallel_loop3A_125  : i32 {
        %parallel_loop3A_249 = arith.constant 255 : i32
        %parallel_loop3A_250 = arith.subi %parallel_loop3A_249, %parallel_loop3A_248 : i32
        %parallel_loop3A_251 = arith.constant 16 : i32
        %parallel_loop3A_252 = arith.muli %parallel_loop3A_250, %parallel_loop3A_251 : i32
        %parallel_loop3A_253 = arith.constant 0 : i32
        %parallel_loop3A_254 = arith.constant 4 : i32
        %parallel_loop3A_255 = arith.index_cast %parallel_loop3A_253 : i32 to index
        %parallel_loop3A_256 = arith.index_cast %parallel_loop3A_254 : i32 to index
        %parallel_loop3A_257 = arith.index_cast %parallel_loop3A_252 : i32 to index
        %parallel_loop3A_258 = tpu.vector_load %arg5[%parallel_loop3A_255, %parallel_loop3A_256, %parallel_loop3A_257] {strides = array<i32>} : memref<2x8x4096xf32, #tpu.memory_space<vmem>>, vector<1x1x16xf32>,
        %parallel_loop3A_259 = vector.shape_cast %parallel_loop3A_258 : vector<1x1x16xf32> to vector<16xf32>
        %parallel_loop3A_260 = arith.constant 15 : i32
        %parallel_loop3A_261 = vector.broadcast %parallel_loop3A_260 : i32 to vector<16xi32>
        %parallel_loop3A_262 = tpu.iota {dimensions = array<i32: 0>} : vector<16xi32>
        %parallel_loop3A_263 = arith.subi %parallel_loop3A_261, %parallel_loop3A_262 : vector<16xi32>
        %parallel_loop3A_264 = tpu.dynamic_gather %parallel_loop3A_259[%parallel_loop3A_263] in [0] : vector<16xf32>, vector<16xi32> -> vector<16xf32>
        %parallel_loop3A_265 = arith.constant 16 : i32
        %parallel_loop3A_266 = arith.muli %parallel_loop3A_248, %parallel_loop3A_265 : i32
        %parallel_loop3A_267 = arith.constant 1 : i32
        %parallel_loop3A_268 = arith.constant 0 : i32
        %parallel_loop3A_269 = arith.index_cast %parallel_loop3A_267 : i32 to index
        %parallel_loop3A_270 = arith.index_cast %parallel_loop3A_268 : i32 to index
        %parallel_loop3A_271 = arith.index_cast %parallel_loop3A_266 : i32 to index
        %parallel_loop3A_272 = tpu.vector_load %arg6[%parallel_loop3A_269, %parallel_loop3A_270, %parallel_loop3A_271] {strides = array<i32>} : memref<2x4x4096xf32, #tpu.memory_space<vmem>>, vector<1x1x16xf32>,
        %parallel_loop3A_273 = vector.shape_cast %parallel_loop3A_272 : vector<1x1x16xf32> to vector<16xf32>
        %parallel_loop3A_274 = vector.shape_cast %parallel_loop3A_264 : vector<16xf32> to vector<1x1x16xf32>
        tpu.vector_store %arg6[%parallel_loop3A_269, %parallel_loop3A_270, %parallel_loop3A_271], %parallel_loop3A_274 {strides = array<i32>} : memref<2x4x4096xf32, #tpu.memory_space<vmem>>, vector<1x1x16xf32>,
      } {sc.loop_unroll_factor = 8 : i64, sc.parallel_access}
      %parallel_loop3A_126 = arith.constant 0 : i32
      %parallel_loop3A_127 = arith.constant 256 : i32
      %parallel_loop3A_128 = arith.constant 1 : i32
      scf.for %parallel_loop3A_248 = %parallel_loop3A_126 to %parallel_loop3A_127 step %parallel_loop3A_128  : i32 {
        %parallel_loop3A_249 = arith.constant 255 : i32
        %parallel_loop3A_250 = arith.subi %parallel_loop3A_249, %parallel_loop3A_248 : i32
        %parallel_loop3A_251 = arith.constant 16 : i32
        %parallel_loop3A_252 = arith.muli %parallel_loop3A_250, %parallel_loop3A_251 : i32
        %parallel_loop3A_253 = arith.constant 0 : i32
        %parallel_loop3A_254 = arith.constant 5 : i32
        %parallel_loop3A_255 = arith.index_cast %parallel_loop3A_253 : i32 to index
        %parallel_loop3A_256 = arith.index_cast %parallel_loop3A_254 : i32 to index
        %parallel_loop3A_257 = arith.index_cast %parallel_loop3A_252 : i32 to index
        %parallel_loop3A_258 = tpu.vector_load %arg5[%parallel_loop3A_255, %parallel_loop3A_256, %parallel_loop3A_257] {strides = array<i32>} : memref<2x8x4096xf32, #tpu.memory_space<vmem>>, vector<1x1x16xf32>,
        %parallel_loop3A_259 = vector.shape_cast %parallel_loop3A_258 : vector<1x1x16xf32> to vector<16xf32>
        %parallel_loop3A_260 = arith.constant 15 : i32
        %parallel_loop3A_261 = vector.broadcast %parallel_loop3A_260 : i32 to vector<16xi32>
        %parallel_loop3A_262 = tpu.iota {dimensions = array<i32: 0>} : vector<16xi32>
        %parallel_loop3A_263 = arith.subi %parallel_loop3A_261, %parallel_loop3A_262 : vector<16xi32>
        %parallel_loop3A_264 = tpu.dynamic_gather %parallel_loop3A_259[%parallel_loop3A_263] in [0] : vector<16xf32>, vector<16xi32> -> vector<16xf32>
        %parallel_loop3A_265 = arith.constant 16 : i32
        %parallel_loop3A_266 = arith.muli %parallel_loop3A_248, %parallel_loop3A_265 : i32
        %parallel_loop3A_267 = arith.constant 1 : i32
        %parallel_loop3A_268 = arith.constant 1 : i32
        %parallel_loop3A_269 = arith.index_cast %parallel_loop3A_267 : i32 to index
        %parallel_loop3A_270 = arith.index_cast %parallel_loop3A_268 : i32 to index
        %parallel_loop3A_271 = arith.index_cast %parallel_loop3A_266 : i32 to index
        %parallel_loop3A_272 = tpu.vector_load %arg6[%parallel_loop3A_269, %parallel_loop3A_270, %parallel_loop3A_271] {strides = array<i32>} : memref<2x4x4096xf32, #tpu.memory_space<vmem>>, vector<1x1x16xf32>,
        %parallel_loop3A_273 = vector.shape_cast %parallel_loop3A_272 : vector<1x1x16xf32> to vector<16xf32>
        %parallel_loop3A_274 = vector.shape_cast %parallel_loop3A_264 : vector<16xf32> to vector<1x1x16xf32>
        tpu.vector_store %arg6[%parallel_loop3A_269, %parallel_loop3A_270, %parallel_loop3A_271], %parallel_loop3A_274 {strides = array<i32>} : memref<2x4x4096xf32, #tpu.memory_space<vmem>>, vector<1x1x16xf32>,
      } {sc.loop_unroll_factor = 8 : i64, sc.parallel_access}
      %parallel_loop3A_129 = arith.constant 0 : i32
      %parallel_loop3A_130 = arith.constant 256 : i32
      %parallel_loop3A_131 = arith.constant 1 : i32
      scf.for %parallel_loop3A_248 = %parallel_loop3A_129 to %parallel_loop3A_130 step %parallel_loop3A_131  : i32 {
        %parallel_loop3A_249 = arith.constant 255 : i32
        %parallel_loop3A_250 = arith.subi %parallel_loop3A_249, %parallel_loop3A_248 : i32
        %parallel_loop3A_251 = arith.constant 16 : i32
        %parallel_loop3A_252 = arith.muli %parallel_loop3A_250, %parallel_loop3A_251 : i32
        %parallel_loop3A_253 = arith.constant 0 : i32
        %parallel_loop3A_254 = arith.constant 6 : i32
        %parallel_loop3A_255 = arith.index_cast %parallel_loop3A_253 : i32 to index
        %parallel_loop3A_256 = arith.index_cast %parallel_loop3A_254 : i32 to index
        %parallel_loop3A_257 = arith.index_cast %parallel_loop3A_252 : i32 to index
        %parallel_loop3A_258 = tpu.vector_load %arg5[%parallel_loop3A_255, %parallel_loop3A_256, %parallel_loop3A_257] {strides = array<i32>} : memref<2x8x4096xf32, #tpu.memory_space<vmem>>, vector<1x1x16xf32>,
        %parallel_loop3A_259 = vector.shape_cast %parallel_loop3A_258 : vector<1x1x16xf32> to vector<16xf32>
        %parallel_loop3A_260 = arith.constant 15 : i32
        %parallel_loop3A_261 = vector.broadcast %parallel_loop3A_260 : i32 to vector<16xi32>
        %parallel_loop3A_262 = tpu.iota {dimensions = array<i32: 0>} : vector<16xi32>
        %parallel_loop3A_263 = arith.subi %parallel_loop3A_261, %parallel_loop3A_262 : vector<16xi32>
        %parallel_loop3A_264 = tpu.dynamic_gather %parallel_loop3A_259[%parallel_loop3A_263] in [0] : vector<16xf32>, vector<16xi32> -> vector<16xf32>
        %parallel_loop3A_265 = arith.constant 16 : i32
        %parallel_loop3A_266 = arith.muli %parallel_loop3A_248, %parallel_loop3A_265 : i32
        %parallel_loop3A_267 = arith.constant 1 : i32
        %parallel_loop3A_268 = arith.constant 2 : i32
        %parallel_loop3A_269 = arith.index_cast %parallel_loop3A_267 : i32 to index
        %parallel_loop3A_270 = arith.index_cast %parallel_loop3A_268 : i32 to index
        %parallel_loop3A_271 = arith.index_cast %parallel_loop3A_266 : i32 to index
        %parallel_loop3A_272 = tpu.vector_load %arg6[%parallel_loop3A_269, %parallel_loop3A_270, %parallel_loop3A_271] {strides = array<i32>} : memref<2x4x4096xf32, #tpu.memory_space<vmem>>, vector<1x1x16xf32>,
        %parallel_loop3A_273 = vector.shape_cast %parallel_loop3A_272 : vector<1x1x16xf32> to vector<16xf32>
        %parallel_loop3A_274 = vector.shape_cast %parallel_loop3A_264 : vector<16xf32> to vector<1x1x16xf32>
        tpu.vector_store %arg6[%parallel_loop3A_269, %parallel_loop3A_270, %parallel_loop3A_271], %parallel_loop3A_274 {strides = array<i32>} : memref<2x4x4096xf32, #tpu.memory_space<vmem>>, vector<1x1x16xf32>,
      } {sc.loop_unroll_factor = 8 : i64, sc.parallel_access}
      %parallel_loop3A_132 = arith.constant 0 : i32
      %parallel_loop3A_133 = arith.constant 256 : i32
      %parallel_loop3A_134 = arith.constant 1 : i32
      scf.for %parallel_loop3A_248 = %parallel_loop3A_132 to %parallel_loop3A_133 step %parallel_loop3A_134  : i32 {
        %parallel_loop3A_249 = arith.constant 255 : i32
        %parallel_loop3A_250 = arith.subi %parallel_loop3A_249, %parallel_loop3A_248 : i32
        %parallel_loop3A_251 = arith.constant 16 : i32
        %parallel_loop3A_252 = arith.muli %parallel_loop3A_250, %parallel_loop3A_251 : i32
        %parallel_loop3A_253 = arith.constant 0 : i32
        %parallel_loop3A_254 = arith.constant 7 : i32
        %parallel_loop3A_255 = arith.index_cast %parallel_loop3A_253 : i32 to index
        %parallel_loop3A_256 = arith.index_cast %parallel_loop3A_254 : i32 to index
        %parallel_loop3A_257 = arith.index_cast %parallel_loop3A_252 : i32 to index
        %parallel_loop3A_258 = tpu.vector_load %arg5[%parallel_loop3A_255, %parallel_loop3A_256, %parallel_loop3A_257] {strides = array<i32>} : memref<2x8x4096xf32, #tpu.memory_space<vmem>>, vector<1x1x16xf32>,
        %parallel_loop3A_259 = vector.shape_cast %parallel_loop3A_258 : vector<1x1x16xf32> to vector<16xf32>
        %parallel_loop3A_260 = arith.constant 15 : i32
        %parallel_loop3A_261 = vector.broadcast %parallel_loop3A_260 : i32 to vector<16xi32>
        %parallel_loop3A_262 = tpu.iota {dimensions = array<i32: 0>} : vector<16xi32>
        %parallel_loop3A_263 = arith.subi %parallel_loop3A_261, %parallel_loop3A_262 : vector<16xi32>
        %parallel_loop3A_264 = tpu.dynamic_gather %parallel_loop3A_259[%parallel_loop3A_263] in [0] : vector<16xf32>, vector<16xi32> -> vector<16xf32>
        %parallel_loop3A_265 = arith.constant 16 : i32
        %parallel_loop3A_266 = arith.muli %parallel_loop3A_248, %parallel_loop3A_265 : i32
        %parallel_loop3A_267 = arith.constant 1 : i32
        %parallel_loop3A_268 = arith.constant 3 : i32
        %parallel_loop3A_269 = arith.index_cast %parallel_loop3A_267 : i32 to index
        %parallel_loop3A_270 = arith.index_cast %parallel_loop3A_268 : i32 to index
        %parallel_loop3A_271 = arith.index_cast %parallel_loop3A_266 : i32 to index
        %parallel_loop3A_272 = tpu.vector_load %arg6[%parallel_loop3A_269, %parallel_loop3A_270, %parallel_loop3A_271] {strides = array<i32>} : memref<2x4x4096xf32, #tpu.memory_space<vmem>>, vector<1x1x16xf32>,
        %parallel_loop3A_273 = vector.shape_cast %parallel_loop3A_272 : vector<1x1x16xf32> to vector<16xf32>
        %parallel_loop3A_274 = vector.shape_cast %parallel_loop3A_264 : vector<16xf32> to vector<1x1x16xf32>
        tpu.vector_store %arg6[%parallel_loop3A_269, %parallel_loop3A_270, %parallel_loop3A_271], %parallel_loop3A_274 {strides = array<i32>} : memref<2x4x4096xf32, #tpu.memory_space<vmem>>, vector<1x1x16xf32>,
      } {sc.loop_unroll_factor = 8 : i64, sc.parallel_access}
      %mul3A_135 = arith.constant 8 : i32
      %mul3A_136 = arith.muli %add3A_63, %mul3A_135 : i32
      %add3A_137 = arith.addi %mul3A_2, %mul3A_136 : i32
      %add3A_138 = arith.constant 4 : i32
      %add3A_139 = arith.addi %add3A_137, %add3A_138 : i32
      %dma_start3A_140 = arith.constant 1 : i32
      %dma_start3A_141 = arith.constant 0 : i32
      %dma_start3A_142 = arith.constant 0 : i32
      %dma_start3A_143 = tpu.memref_slice %arg6[%dma_start3A_140, %dma_start3A_141, %dma_start3A_142] : memref<2x4x4096xf32, #tpu.memory_space<vmem>> -> memref<1x4x4096xf32, #tpu.memory_space<vmem>>
      %dma_start3A_144 = tpu.memref_squeeze %dma_start3A_143 : memref<1x4x4096xf32, #tpu.memory_space<vmem>> -> memref<4x4096xf32, #tpu.memory_space<vmem>>
      %dma_start3A_145 = arith.constant 0 : i32
      %dma_start3A_146 = tpu.memref_slice %arg3[%add3A_139, %dma_start3A_145] : memref<8192x4096xf32, #tpu.memory_space<hbm>> -> memref<4x4096xf32, #tpu.memory_space<hbm>>
      %dma_start3A_147 = arith.constant 0 : i32
      %dma_start3A_148 = tpu.memref_slice %arg3[%add3A_139, %dma_start3A_147] : memref<8192x4096xf32, #tpu.memory_space<hbm>> -> memref<4x4096xf32, #tpu.memory_space<hbm>>
      %dma_start3A_149 = arith.constant 0 : i32
      %dma_start3A_150 = arith.constant 0 : i32
      %dma_start3A_151 = tpu.memref_slice %arg6[%dma_start3A_140, %dma_start3A_149, %dma_start3A_150] : memref<2x4x4096xf32, #tpu.memory_space<vmem>> -> memref<1x4x4096xf32, #tpu.memory_space<vmem>>
      %dma_start3A_152 = tpu.memref_squeeze %dma_start3A_151 : memref<1x4x4096xf32, #tpu.memory_space<vmem>> -> memref<4x4096xf32, #tpu.memory_space<vmem>>
      tpu.enqueue_dma source(%dma_start3A_152 : memref<4x4096xf32, #tpu.memory_space<vmem>>) target(%dma_start3A_148 : memref<4x4096xf32, #tpu.memory_space<hbm>>) target_semaphore(%arg11 : memref<!tpu.dma_semaphore, #tpu.memory_space<semaphore_mem>>)
      %add3A_153 = arith.constant 1 : i32
      %add3A_154 = arith.addi %add3A_61, %add3A_153 : i32
      %add3A_155 = arith.constant 1 : i32
      %add3A_156 = arith.addi %add3A_154, %add3A_155 : i32
      %lt3A_157 = arith.constant 32 : i32
      %lt3A_158 = arith.cmpi slt, %add3A_156, %lt3A_157 : i32
      %convert_element_type3A_159 = arith.extui %lt3A_158 : i1 to i32
      %cond3A_160 = arith.constant 0 : i32
      %cond3A_161 = arith.cmpi ne, %convert_element_type3A_159, %cond3A_160 : i32
      scf.if %cond3A_161 {
        %add3A_248 = arith.constant 1 : i32
        %add3A_249 = arith.addi %add3A_154, %add3A_248 : i32
        %mul3A_250 = arith.constant 8 : i32
        %mul3A_251 = arith.muli %add3A_249, %mul3A_250 : i32
        %add3A_252 = arith.addi %mul3A_2, %mul3A_251 : i32
        %dma_start3A_253 = arith.constant 0 : i32
        %dma_start3A_254 = arith.constant 0 : i32
        %dma_start3A_255 = arith.constant 0 : i32
        %dma_start3A_256 = tpu.memref_slice %arg5[%dma_start3A_253, %dma_start3A_254, %dma_start3A_255] : memref<2x8x4096xf32, #tpu.memory_space<vmem>> -> memref<1x8x4096xf32, #tpu.memory_space<vmem>>
        %dma_start3A_257 = tpu.memref_squeeze %dma_start3A_256 : memref<1x8x4096xf32, #tpu.memory_space<vmem>> -> memref<8x4096xf32, #tpu.memory_space<vmem>>
        %dma_start3A_258 = arith.constant 0 : i32
        %dma_start3A_259 = tpu.memref_slice %arg2[%add3A_252, %dma_start3A_258] : memref<8192x4096xf32, #tpu.memory_space<hbm>> -> memref<8x4096xf32, #tpu.memory_space<hbm>>
        %dma_start3A_260 = arith.constant 0 : i32
        %dma_start3A_261 = arith.constant 0 : i32
        %dma_start3A_262 = tpu.memref_slice %arg5[%dma_start3A_253, %dma_start3A_260, %dma_start3A_261] : memref<2x8x4096xf32, #tpu.memory_space<vmem>> -> memref<1x8x4096xf32, #tpu.memory_space<vmem>>
        %dma_start3A_263 = tpu.memref_squeeze %dma_start3A_262 : memref<1x8x4096xf32, #tpu.memory_space<vmem>> -> memref<8x4096xf32, #tpu.memory_space<vmem>>
        %dma_start3A_264 = arith.constant 0 : i32
        %dma_start3A_265 = tpu.memref_slice %arg2[%add3A_252, %dma_start3A_264] : memref<8192x4096xf32, #tpu.memory_space<hbm>> -> memref<8x4096xf32, #tpu.memory_space<hbm>>
        tpu.enqueue_dma source(%dma_start3A_265 : memref<8x4096xf32, #tpu.memory_space<hbm>>) target(%dma_start3A_263 : memref<8x4096xf32, #tpu.memory_space<vmem>>) target_semaphore(%arg8 : memref<!tpu.dma_semaphore, #tpu.memory_space<semaphore_mem>>)
      } else {
      }
      %mul3A_162 = arith.constant 8 : i32
      %mul3A_163 = arith.muli %add3A_154, %mul3A_162 : i32
      %add3A_164 = arith.addi %mul3A_2, %mul3A_163 : i32
      %dma_wait3A_165 = arith.constant 1 : i32
      %dma_wait3A_166 = arith.constant 0 : i32
      %dma_wait3A_167 = arith.constant 0 : i32
      %dma_wait3A_168 = tpu.memref_slice %arg5[%dma_wait3A_165, %dma_wait3A_166, %dma_wait3A_167] : memref<2x8x4096xf32, #tpu.memory_space<vmem>> -> memref<1x8x4096xf32, #tpu.memory_space<vmem>>
      %dma_wait3A_169 = tpu.memref_squeeze %dma_wait3A_168 : memref<1x8x4096xf32, #tpu.memory_space<vmem>> -> memref<8x4096xf32, #tpu.memory_space<vmem>>
      %dma_wait3A_170 = arith.constant 0 : i32
      %dma_wait3A_171 = tpu.memref_slice %arg2[%add3A_164, %dma_wait3A_170] : memref<8192x4096xf32, #tpu.memory_space<hbm>> -> memref<8x4096xf32, #tpu.memory_space<hbm>>
      %dma_wait3A_172 = arith.constant 0 : i32
      %dma_wait3A_173 = arith.constant 0 : i32
      %dma_wait3A_174 = tpu.memref_slice %arg5[%dma_wait3A_165, %dma_wait3A_172, %dma_wait3A_173] : memref<2x8x4096xf32, #tpu.memory_space<vmem>> -> memref<1x8x4096xf32, #tpu.memory_space<vmem>>
      %dma_wait3A_175 = tpu.memref_squeeze %dma_wait3A_174 : memref<1x8x4096xf32, #tpu.memory_space<vmem>> -> memref<8x4096xf32, #tpu.memory_space<vmem>>
      %dma_wait3A_176 = arith.constant 0 : i32
      %dma_wait3A_177 = tpu.memref_slice %arg2[%add3A_164, %dma_wait3A_176] : memref<8192x4096xf32, #tpu.memory_space<hbm>> -> memref<8x4096xf32, #tpu.memory_space<hbm>>
      tpu.wait_dma2 semaphore(%arg9 : memref<!tpu.dma_semaphore, #tpu.memory_space<semaphore_mem>>) src(%dma_wait3A_177 : memref<8x4096xf32, #tpu.memory_space<hbm>>) dst(%dma_wait3A_175 : memref<8x4096xf32, #tpu.memory_space<vmem>>)
      %ge3A_178 = arith.constant 1 : i32
      %ge3A_179 = arith.cmpi sge, %add3A_154, %ge3A_178 : i32
      %convert_element_type3A_180 = arith.extui %ge3A_179 : i1 to i32
      %cond3A_181 = arith.constant 0 : i32
      %cond3A_182 = arith.cmpi ne, %convert_element_type3A_180, %cond3A_181 : i32
      scf.if %cond3A_182 {
        %mul3A_248 = arith.constant 8 : i32
        %mul3A_249 = arith.muli %add3A_154, %mul3A_248 : i32
        %add3A_250 = arith.addi %mul3A_2, %mul3A_249 : i32
        %add3A_251 = arith.constant 0 : i32
        %add3A_252 = arith.addi %add3A_250, %add3A_251 : i32
        %dma_wait3A_253 = arith.constant 0 : i32
        %dma_wait3A_254 = arith.constant 0 : i32
        %dma_wait3A_255 = arith.constant 0 : i32
        %dma_wait3A_256 = tpu.memref_slice %arg6[%dma_wait3A_253, %dma_wait3A_254, %dma_wait3A_255] : memref<2x4x4096xf32, #tpu.memory_space<vmem>> -> memref<1x4x4096xf32, #tpu.memory_space<vmem>>
        %dma_wait3A_257 = tpu.memref_squeeze %dma_wait3A_256 : memref<1x4x4096xf32, #tpu.memory_space<vmem>> -> memref<4x4096xf32, #tpu.memory_space<vmem>>
        %dma_wait3A_258 = arith.constant 0 : i32
        %dma_wait3A_259 = tpu.memref_slice %arg3[%add3A_252, %dma_wait3A_258] : memref<8192x4096xf32, #tpu.memory_space<hbm>> -> memref<4x4096xf32, #tpu.memory_space<hbm>>
        %dma_wait3A_260 = arith.constant 0 : i32
        %dma_wait3A_261 = tpu.memref_slice %arg3[%add3A_252, %dma_wait3A_260] : memref<8192x4096xf32, #tpu.memory_space<hbm>> -> memref<4x4096xf32, #tpu.memory_space<hbm>>
        %dma_wait3A_262 = arith.constant 0 : i32
        %dma_wait3A_263 = arith.constant 0 : i32
        %dma_wait3A_264 = tpu.memref_slice %arg6[%dma_wait3A_253, %dma_wait3A_262, %dma_wait3A_263] : memref<2x4x4096xf32, #tpu.memory_space<vmem>> -> memref<1x4x4096xf32, #tpu.memory_space<vmem>>
        %dma_wait3A_265 = tpu.memref_squeeze %dma_wait3A_264 : memref<1x4x4096xf32, #tpu.memory_space<vmem>> -> memref<4x4096xf32, #tpu.memory_space<vmem>>
        tpu.wait_dma2 semaphore(%arg10 : memref<!tpu.dma_semaphore, #tpu.memory_space<semaphore_mem>>) src(%dma_wait3A_265 : memref<4x4096xf32, #tpu.memory_space<vmem>>) dst(%dma_wait3A_261 : memref<4x4096xf32, #tpu.memory_space<hbm>>)
      } else {
      }
      %parallel_loop3A_183 = arith.constant 0 : i32
      %parallel_loop3A_184 = arith.constant 256 : i32
      %parallel_loop3A_185 = arith.constant 1 : i32
      scf.for %parallel_loop3A_248 = %parallel_loop3A_183 to %parallel_loop3A_184 step %parallel_loop3A_185  : i32 {
        %parallel_loop3A_249 = arith.constant 255 : i32
        %parallel_loop3A_250 = arith.subi %parallel_loop3A_249, %parallel_loop3A_248 : i32
        %parallel_loop3A_251 = arith.constant 16 : i32
        %parallel_loop3A_252 = arith.muli %parallel_loop3A_250, %parallel_loop3A_251 : i32
        %parallel_loop3A_253 = arith.constant 1 : i32
        %parallel_loop3A_254 = arith.constant 0 : i32
        %parallel_loop3A_255 = arith.index_cast %parallel_loop3A_253 : i32 to index
        %parallel_loop3A_256 = arith.index_cast %parallel_loop3A_254 : i32 to index
        %parallel_loop3A_257 = arith.index_cast %parallel_loop3A_252 : i32 to index
        %parallel_loop3A_258 = tpu.vector_load %arg5[%parallel_loop3A_255, %parallel_loop3A_256, %parallel_loop3A_257] {strides = array<i32>} : memref<2x8x4096xf32, #tpu.memory_space<vmem>>, vector<1x1x16xf32>,
        %parallel_loop3A_259 = vector.shape_cast %parallel_loop3A_258 : vector<1x1x16xf32> to vector<16xf32>
        %parallel_loop3A_260 = arith.constant 15 : i32
        %parallel_loop3A_261 = vector.broadcast %parallel_loop3A_260 : i32 to vector<16xi32>
        %parallel_loop3A_262 = tpu.iota {dimensions = array<i32: 0>} : vector<16xi32>
        %parallel_loop3A_263 = arith.subi %parallel_loop3A_261, %parallel_loop3A_262 : vector<16xi32>
        %parallel_loop3A_264 = tpu.dynamic_gather %parallel_loop3A_259[%parallel_loop3A_263] in [0] : vector<16xf32>, vector<16xi32> -> vector<16xf32>
        %parallel_loop3A_265 = arith.constant 16 : i32
        %parallel_loop3A_266 = arith.muli %parallel_loop3A_248, %parallel_loop3A_265 : i32
        %parallel_loop3A_267 = arith.constant 0 : i32
        %parallel_loop3A_268 = arith.constant 0 : i32
        %parallel_loop3A_269 = arith.index_cast %parallel_loop3A_267 : i32 to index
        %parallel_loop3A_270 = arith.index_cast %parallel_loop3A_268 : i32 to index
        %parallel_loop3A_271 = arith.index_cast %parallel_loop3A_266 : i32 to index
        %parallel_loop3A_272 = tpu.vector_load %arg6[%parallel_loop3A_269, %parallel_loop3A_270, %parallel_loop3A_271] {strides = array<i32>} : memref<2x4x4096xf32, #tpu.memory_space<vmem>>, vector<1x1x16xf32>,
        %parallel_loop3A_273 = vector.shape_cast %parallel_loop3A_272 : vector<1x1x16xf32> to vector<16xf32>
        %parallel_loop3A_274 = vector.shape_cast %parallel_loop3A_264 : vector<16xf32> to vector<1x1x16xf32>
        tpu.vector_store %arg6[%parallel_loop3A_269, %parallel_loop3A_270, %parallel_loop3A_271], %parallel_loop3A_274 {strides = array<i32>} : memref<2x4x4096xf32, #tpu.memory_space<vmem>>, vector<1x1x16xf32>,
      } {sc.loop_unroll_factor = 8 : i64, sc.parallel_access}
      %parallel_loop3A_186 = arith.constant 0 : i32
      %parallel_loop3A_187 = arith.constant 256 : i32
      %parallel_loop3A_188 = arith.constant 1 : i32
      scf.for %parallel_loop3A_248 = %parallel_loop3A_186 to %parallel_loop3A_187 step %parallel_loop3A_188  : i32 {
        %parallel_loop3A_249 = arith.constant 255 : i32
        %parallel_loop3A_250 = arith.subi %parallel_loop3A_249, %parallel_loop3A_248 : i32
        %parallel_loop3A_251 = arith.constant 16 : i32
        %parallel_loop3A_252 = arith.muli %parallel_loop3A_250, %parallel_loop3A_251 : i32
        %parallel_loop3A_253 = arith.constant 1 : i32
        %parallel_loop3A_254 = arith.constant 1 : i32
        %parallel_loop3A_255 = arith.index_cast %parallel_loop3A_253 : i32 to index
        %parallel_loop3A_256 = arith.index_cast %parallel_loop3A_254 : i32 to index
        %parallel_loop3A_257 = arith.index_cast %parallel_loop3A_252 : i32 to index
        %parallel_loop3A_258 = tpu.vector_load %arg5[%parallel_loop3A_255, %parallel_loop3A_256, %parallel_loop3A_257] {strides = array<i32>} : memref<2x8x4096xf32, #tpu.memory_space<vmem>>, vector<1x1x16xf32>,
        %parallel_loop3A_259 = vector.shape_cast %parallel_loop3A_258 : vector<1x1x16xf32> to vector<16xf32>
        %parallel_loop3A_260 = arith.constant 15 : i32
        %parallel_loop3A_261 = vector.broadcast %parallel_loop3A_260 : i32 to vector<16xi32>
        %parallel_loop3A_262 = tpu.iota {dimensions = array<i32: 0>} : vector<16xi32>
        %parallel_loop3A_263 = arith.subi %parallel_loop3A_261, %parallel_loop3A_262 : vector<16xi32>
        %parallel_loop3A_264 = tpu.dynamic_gather %parallel_loop3A_259[%parallel_loop3A_263] in [0] : vector<16xf32>, vector<16xi32> -> vector<16xf32>
        %parallel_loop3A_265 = arith.constant 16 : i32
        %parallel_loop3A_266 = arith.muli %parallel_loop3A_248, %parallel_loop3A_265 : i32
        %parallel_loop3A_267 = arith.constant 0 : i32
        %parallel_loop3A_268 = arith.constant 1 : i32
        %parallel_loop3A_269 = arith.index_cast %parallel_loop3A_267 : i32 to index
        %parallel_loop3A_270 = arith.index_cast %parallel_loop3A_268 : i32 to index
        %parallel_loop3A_271 = arith.index_cast %parallel_loop3A_266 : i32 to index
        %parallel_loop3A_272 = tpu.vector_load %arg6[%parallel_loop3A_269, %parallel_loop3A_270, %parallel_loop3A_271] {strides = array<i32>} : memref<2x4x4096xf32, #tpu.memory_space<vmem>>, vector<1x1x16xf32>,
        %parallel_loop3A_273 = vector.shape_cast %parallel_loop3A_272 : vector<1x1x16xf32> to vector<16xf32>
        %parallel_loop3A_274 = vector.shape_cast %parallel_loop3A_264 : vector<16xf32> to vector<1x1x16xf32>
        tpu.vector_store %arg6[%parallel_loop3A_269, %parallel_loop3A_270, %parallel_loop3A_271], %parallel_loop3A_274 {strides = array<i32>} : memref<2x4x4096xf32, #tpu.memory_space<vmem>>, vector<1x1x16xf32>,
      } {sc.loop_unroll_factor = 8 : i64, sc.parallel_access}
      %parallel_loop3A_189 = arith.constant 0 : i32
      %parallel_loop3A_190 = arith.constant 256 : i32
      %parallel_loop3A_191 = arith.constant 1 : i32
      scf.for %parallel_loop3A_248 = %parallel_loop3A_189 to %parallel_loop3A_190 step %parallel_loop3A_191  : i32 {
        %parallel_loop3A_249 = arith.constant 255 : i32
        %parallel_loop3A_250 = arith.subi %parallel_loop3A_249, %parallel_loop3A_248 : i32
        %parallel_loop3A_251 = arith.constant 16 : i32
        %parallel_loop3A_252 = arith.muli %parallel_loop3A_250, %parallel_loop3A_251 : i32
        %parallel_loop3A_253 = arith.constant 1 : i32
        %parallel_loop3A_254 = arith.constant 2 : i32
        %parallel_loop3A_255 = arith.index_cast %parallel_loop3A_253 : i32 to index
        %parallel_loop3A_256 = arith.index_cast %parallel_loop3A_254 : i32 to index
        %parallel_loop3A_257 = arith.index_cast %parallel_loop3A_252 : i32 to index
        %parallel_loop3A_258 = tpu.vector_load %arg5[%parallel_loop3A_255, %parallel_loop3A_256, %parallel_loop3A_257] {strides = array<i32>} : memref<2x8x4096xf32, #tpu.memory_space<vmem>>, vector<1x1x16xf32>,
        %parallel_loop3A_259 = vector.shape_cast %parallel_loop3A_258 : vector<1x1x16xf32> to vector<16xf32>
        %parallel_loop3A_260 = arith.constant 15 : i32
        %parallel_loop3A_261 = vector.broadcast %parallel_loop3A_260 : i32 to vector<16xi32>
        %parallel_loop3A_262 = tpu.iota {dimensions = array<i32: 0>} : vector<16xi32>
        %parallel_loop3A_263 = arith.subi %parallel_loop3A_261, %parallel_loop3A_262 : vector<16xi32>
        %parallel_loop3A_264 = tpu.dynamic_gather %parallel_loop3A_259[%parallel_loop3A_263] in [0] : vector<16xf32>, vector<16xi32> -> vector<16xf32>
        %parallel_loop3A_265 = arith.constant 16 : i32
        %parallel_loop3A_266 = arith.muli %parallel_loop3A_248, %parallel_loop3A_265 : i32
        %parallel_loop3A_267 = arith.constant 0 : i32
        %parallel_loop3A_268 = arith.constant 2 : i32
        %parallel_loop3A_269 = arith.index_cast %parallel_loop3A_267 : i32 to index
        %parallel_loop3A_270 = arith.index_cast %parallel_loop3A_268 : i32 to index
        %parallel_loop3A_271 = arith.index_cast %parallel_loop3A_266 : i32 to index
        %parallel_loop3A_272 = tpu.vector_load %arg6[%parallel_loop3A_269, %parallel_loop3A_270, %parallel_loop3A_271] {strides = array<i32>} : memref<2x4x4096xf32, #tpu.memory_space<vmem>>, vector<1x1x16xf32>,
        %parallel_loop3A_273 = vector.shape_cast %parallel_loop3A_272 : vector<1x1x16xf32> to vector<16xf32>
        %parallel_loop3A_274 = vector.shape_cast %parallel_loop3A_264 : vector<16xf32> to vector<1x1x16xf32>
        tpu.vector_store %arg6[%parallel_loop3A_269, %parallel_loop3A_270, %parallel_loop3A_271], %parallel_loop3A_274 {strides = array<i32>} : memref<2x4x4096xf32, #tpu.memory_space<vmem>>, vector<1x1x16xf32>,
      } {sc.loop_unroll_factor = 8 : i64, sc.parallel_access}
      %parallel_loop3A_192 = arith.constant 0 : i32
      %parallel_loop3A_193 = arith.constant 256 : i32
      %parallel_loop3A_194 = arith.constant 1 : i32
      scf.for %parallel_loop3A_248 = %parallel_loop3A_192 to %parallel_loop3A_193 step %parallel_loop3A_194  : i32 {
        %parallel_loop3A_249 = arith.constant 255 : i32
        %parallel_loop3A_250 = arith.subi %parallel_loop3A_249, %parallel_loop3A_248 : i32
        %parallel_loop3A_251 = arith.constant 16 : i32
        %parallel_loop3A_252 = arith.muli %parallel_loop3A_250, %parallel_loop3A_251 : i32
        %parallel_loop3A_253 = arith.constant 1 : i32
        %parallel_loop3A_254 = arith.constant 3 : i32
        %parallel_loop3A_255 = arith.index_cast %parallel_loop3A_253 : i32 to index
        %parallel_loop3A_256 = arith.index_cast %parallel_loop3A_254 : i32 to index
        %parallel_loop3A_257 = arith.index_cast %parallel_loop3A_252 : i32 to index
        %parallel_loop3A_258 = tpu.vector_load %arg5[%parallel_loop3A_255, %parallel_loop3A_256, %parallel_loop3A_257] {strides = array<i32>} : memref<2x8x4096xf32, #tpu.memory_space<vmem>>, vector<1x1x16xf32>,
        %parallel_loop3A_259 = vector.shape_cast %parallel_loop3A_258 : vector<1x1x16xf32> to vector<16xf32>
        %parallel_loop3A_260 = arith.constant 15 : i32
        %parallel_loop3A_261 = vector.broadcast %parallel_loop3A_260 : i32 to vector<16xi32>
        %parallel_loop3A_262 = tpu.iota {dimensions = array<i32: 0>} : vector<16xi32>
        %parallel_loop3A_263 = arith.subi %parallel_loop3A_261, %parallel_loop3A_262 : vector<16xi32>
        %parallel_loop3A_264 = tpu.dynamic_gather %parallel_loop3A_259[%parallel_loop3A_263] in [0] : vector<16xf32>, vector<16xi32> -> vector<16xf32>
        %parallel_loop3A_265 = arith.constant 16 : i32
        %parallel_loop3A_266 = arith.muli %parallel_loop3A_248, %parallel_loop3A_265 : i32
        %parallel_loop3A_267 = arith.constant 0 : i32
        %parallel_loop3A_268 = arith.constant 3 : i32
        %parallel_loop3A_269 = arith.index_cast %parallel_loop3A_267 : i32 to index
        %parallel_loop3A_270 = arith.index_cast %parallel_loop3A_268 : i32 to index
        %parallel_loop3A_271 = arith.index_cast %parallel_loop3A_266 : i32 to index
        %parallel_loop3A_272 = tpu.vector_load %arg6[%parallel_loop3A_269, %parallel_loop3A_270, %parallel_loop3A_271] {strides = array<i32>} : memref<2x4x4096xf32, #tpu.memory_space<vmem>>, vector<1x1x16xf32>,
        %parallel_loop3A_273 = vector.shape_cast %parallel_loop3A_272 : vector<1x1x16xf32> to vector<16xf32>
        %parallel_loop3A_274 = vector.shape_cast %parallel_loop3A_264 : vector<16xf32> to vector<1x1x16xf32>
        tpu.vector_store %arg6[%parallel_loop3A_269, %parallel_loop3A_270, %parallel_loop3A_271], %parallel_loop3A_274 {strides = array<i32>} : memref<2x4x4096xf32, #tpu.memory_space<vmem>>, vector<1x1x16xf32>,
      } {sc.loop_unroll_factor = 8 : i64, sc.parallel_access}
      %mul3A_195 = arith.constant 8 : i32
      %mul3A_196 = arith.muli %add3A_154, %mul3A_195 : i32
      %add3A_197 = arith.addi %mul3A_2, %mul3A_196 : i32
      %add3A_198 = arith.constant 0 : i32
      %add3A_199 = arith.addi %add3A_197, %add3A_198 : i32
      %dma_start3A_200 = arith.constant 0 : i32
      %dma_start3A_201 = arith.constant 0 : i32
      %dma_start3A_202 = arith.constant 0 : i32
      %dma_start3A_203 = tpu.memref_slice %arg6[%dma_start3A_200, %dma_start3A_201, %dma_start3A_202] : memref<2x4x4096xf32, #tpu.memory_space<vmem>> -> memref<1x4x4096xf32, #tpu.memory_space<vmem>>
      %dma_start3A_204 = tpu.memref_squeeze %dma_start3A_203 : memref<1x4x4096xf32, #tpu.memory_space<vmem>> -> memref<4x4096xf32, #tpu.memory_space<vmem>>
      %dma_start3A_205 = arith.constant 0 : i32
      %dma_start3A_206 = tpu.memref_slice %arg3[%add3A_199, %dma_start3A_205] : memref<8192x4096xf32, #tpu.memory_space<hbm>> -> memref<4x4096xf32, #tpu.memory_space<hbm>>
      %dma_start3A_207 = arith.constant 0 : i32
      %dma_start3A_208 = tpu.memref_slice %arg3[%add3A_199, %dma_start3A_207] : memref<8192x4096xf32, #tpu.memory_space<hbm>> -> memref<4x4096xf32, #tpu.memory_space<hbm>>
      %dma_start3A_209 = arith.constant 0 : i32
      %dma_start3A_210 = arith.constant 0 : i32
      %dma_start3A_211 = tpu.memref_slice %arg6[%dma_start3A_200, %dma_start3A_209, %dma_start3A_210] : memref<2x4x4096xf32, #tpu.memory_space<vmem>> -> memref<1x4x4096xf32, #tpu.memory_space<vmem>>
      %dma_start3A_212 = tpu.memref_squeeze %dma_start3A_211 : memref<1x4x4096xf32, #tpu.memory_space<vmem>> -> memref<4x4096xf32, #tpu.memory_space<vmem>>
      tpu.enqueue_dma source(%dma_start3A_212 : memref<4x4096xf32, #tpu.memory_space<vmem>>) target(%dma_start3A_208 : memref<4x4096xf32, #tpu.memory_space<hbm>>) target_semaphore(%arg10 : memref<!tpu.dma_semaphore, #tpu.memory_space<semaphore_mem>>)
      %ge3A_213 = arith.constant 1 : i32
      %ge3A_214 = arith.cmpi sge, %add3A_154, %ge3A_213 : i32
      %convert_element_type3A_215 = arith.extui %ge3A_214 : i1 to i32
      %cond3A_216 = arith.constant 0 : i32
      %cond3A_217 = arith.cmpi ne, %convert_element_type3A_215, %cond3A_216 : i32
      scf.if %cond3A_217 {
        %mul3A_248 = arith.constant 8 : i32
        %mul3A_249 = arith.muli %add3A_154, %mul3A_248 : i32
        %add3A_250 = arith.addi %mul3A_2, %mul3A_249 : i32
        %add3A_251 = arith.constant 4 : i32
        %add3A_252 = arith.addi %add3A_250, %add3A_251 : i32
        %dma_wait3A_253 = arith.constant 1 : i32
        %dma_wait3A_254 = arith.constant 0 : i32
        %dma_wait3A_255 = arith.constant 0 : i32
        %dma_wait3A_256 = tpu.memref_slice %arg6[%dma_wait3A_253, %dma_wait3A_254, %dma_wait3A_255] : memref<2x4x4096xf32, #tpu.memory_space<vmem>> -> memref<1x4x4096xf32, #tpu.memory_space<vmem>>
        %dma_wait3A_257 = tpu.memref_squeeze %dma_wait3A_256 : memref<1x4x4096xf32, #tpu.memory_space<vmem>> -> memref<4x4096xf32, #tpu.memory_space<vmem>>
        %dma_wait3A_258 = arith.constant 0 : i32
        %dma_wait3A_259 = tpu.memref_slice %arg3[%add3A_252, %dma_wait3A_258] : memref<8192x4096xf32, #tpu.memory_space<hbm>> -> memref<4x4096xf32, #tpu.memory_space<hbm>>
        %dma_wait3A_260 = arith.constant 0 : i32
        %dma_wait3A_261 = tpu.memref_slice %arg3[%add3A_252, %dma_wait3A_260] : memref<8192x4096xf32, #tpu.memory_space<hbm>> -> memref<4x4096xf32, #tpu.memory_space<hbm>>
        %dma_wait3A_262 = arith.constant 0 : i32
        %dma_wait3A_263 = arith.constant 0 : i32
        %dma_wait3A_264 = tpu.memref_slice %arg6[%dma_wait3A_253, %dma_wait3A_262, %dma_wait3A_263] : memref<2x4x4096xf32, #tpu.memory_space<vmem>> -> memref<1x4x4096xf32, #tpu.memory_space<vmem>>
        %dma_wait3A_265 = tpu.memref_squeeze %dma_wait3A_264 : memref<1x4x4096xf32, #tpu.memory_space<vmem>> -> memref<4x4096xf32, #tpu.memory_space<vmem>>
        tpu.wait_dma2 semaphore(%arg11 : memref<!tpu.dma_semaphore, #tpu.memory_space<semaphore_mem>>) src(%dma_wait3A_265 : memref<4x4096xf32, #tpu.memory_space<vmem>>) dst(%dma_wait3A_261 : memref<4x4096xf32, #tpu.memory_space<hbm>>)
      } else {
      }
      %parallel_loop3A_218 = arith.constant 0 : i32
      %parallel_loop3A_219 = arith.constant 256 : i32
      %parallel_loop3A_220 = arith.constant 1 : i32
      scf.for %parallel_loop3A_248 = %parallel_loop3A_218 to %parallel_loop3A_219 step %parallel_loop3A_220  : i32 {
        %parallel_loop3A_249 = arith.constant 255 : i32
        %parallel_loop3A_250 = arith.subi %parallel_loop3A_249, %parallel_loop3A_248 : i32
        %parallel_loop3A_251 = arith.constant 16 : i32
        %parallel_loop3A_252 = arith.muli %parallel_loop3A_250, %parallel_loop3A_251 : i32
        %parallel_loop3A_253 = arith.constant 1 : i32
        %parallel_loop3A_254 = arith.constant 4 : i32
        %parallel_loop3A_255 = arith.index_cast %parallel_loop3A_253 : i32 to index
        %parallel_loop3A_256 = arith.index_cast %parallel_loop3A_254 : i32 to index
        %parallel_loop3A_257 = arith.index_cast %parallel_loop3A_252 : i32 to index
        %parallel_loop3A_258 = tpu.vector_load %arg5[%parallel_loop3A_255, %parallel_loop3A_256, %parallel_loop3A_257] {strides = array<i32>} : memref<2x8x4096xf32, #tpu.memory_space<vmem>>, vector<1x1x16xf32>,
        %parallel_loop3A_259 = vector.shape_cast %parallel_loop3A_258 : vector<1x1x16xf32> to vector<16xf32>
        %parallel_loop3A_260 = arith.constant 15 : i32
        %parallel_loop3A_261 = vector.broadcast %parallel_loop3A_260 : i32 to vector<16xi32>
        %parallel_loop3A_262 = tpu.iota {dimensions = array<i32: 0>} : vector<16xi32>
        %parallel_loop3A_263 = arith.subi %parallel_loop3A_261, %parallel_loop3A_262 : vector<16xi32>
        %parallel_loop3A_264 = tpu.dynamic_gather %parallel_loop3A_259[%parallel_loop3A_263] in [0] : vector<16xf32>, vector<16xi32> -> vector<16xf32>
        %parallel_loop3A_265 = arith.constant 16 : i32
        %parallel_loop3A_266 = arith.muli %parallel_loop3A_248, %parallel_loop3A_265 : i32
        %parallel_loop3A_267 = arith.constant 1 : i32
        %parallel_loop3A_268 = arith.constant 0 : i32
        %parallel_loop3A_269 = arith.index_cast %parallel_loop3A_267 : i32 to index
        %parallel_loop3A_270 = arith.index_cast %parallel_loop3A_268 : i32 to index
        %parallel_loop3A_271 = arith.index_cast %parallel_loop3A_266 : i32 to index
        %parallel_loop3A_272 = tpu.vector_load %arg6[%parallel_loop3A_269, %parallel_loop3A_270, %parallel_loop3A_271] {strides = array<i32>} : memref<2x4x4096xf32, #tpu.memory_space<vmem>>, vector<1x1x16xf32>,
        %parallel_loop3A_273 = vector.shape_cast %parallel_loop3A_272 : vector<1x1x16xf32> to vector<16xf32>
        %parallel_loop3A_274 = vector.shape_cast %parallel_loop3A_264 : vector<16xf32> to vector<1x1x16xf32>
        tpu.vector_store %arg6[%parallel_loop3A_269, %parallel_loop3A_270, %parallel_loop3A_271], %parallel_loop3A_274 {strides = array<i32>} : memref<2x4x4096xf32, #tpu.memory_space<vmem>>, vector<1x1x16xf32>,
      } {sc.loop_unroll_factor = 8 : i64, sc.parallel_access}
      %parallel_loop3A_221 = arith.constant 0 : i32
      %parallel_loop3A_222 = arith.constant 256 : i32
      %parallel_loop3A_223 = arith.constant 1 : i32
      scf.for %parallel_loop3A_248 = %parallel_loop3A_221 to %parallel_loop3A_222 step %parallel_loop3A_223  : i32 {
        %parallel_loop3A_249 = arith.constant 255 : i32
        %parallel_loop3A_250 = arith.subi %parallel_loop3A_249, %parallel_loop3A_248 : i32
        %parallel_loop3A_251 = arith.constant 16 : i32
        %parallel_loop3A_252 = arith.muli %parallel_loop3A_250, %parallel_loop3A_251 : i32
        %parallel_loop3A_253 = arith.constant 1 : i32
        %parallel_loop3A_254 = arith.constant 5 : i32
        %parallel_loop3A_255 = arith.index_cast %parallel_loop3A_253 : i32 to index
        %parallel_loop3A_256 = arith.index_cast %parallel_loop3A_254 : i32 to index
        %parallel_loop3A_257 = arith.index_cast %parallel_loop3A_252 : i32 to index
        %parallel_loop3A_258 = tpu.vector_load %arg5[%parallel_loop3A_255, %parallel_loop3A_256, %parallel_loop3A_257] {strides = array<i32>} : memref<2x8x4096xf32, #tpu.memory_space<vmem>>, vector<1x1x16xf32>,
        %parallel_loop3A_259 = vector.shape_cast %parallel_loop3A_258 : vector<1x1x16xf32> to vector<16xf32>
        %parallel_loop3A_260 = arith.constant 15 : i32
        %parallel_loop3A_261 = vector.broadcast %parallel_loop3A_260 : i32 to vector<16xi32>
        %parallel_loop3A_262 = tpu.iota {dimensions = array<i32: 0>} : vector<16xi32>
        %parallel_loop3A_263 = arith.subi %parallel_loop3A_261, %parallel_loop3A_262 : vector<16xi32>
        %parallel_loop3A_264 = tpu.dynamic_gather %parallel_loop3A_259[%parallel_loop3A_263] in [0] : vector<16xf32>, vector<16xi32> -> vector<16xf32>
        %parallel_loop3A_265 = arith.constant 16 : i32
        %parallel_loop3A_266 = arith.muli %parallel_loop3A_248, %parallel_loop3A_265 : i32
        %parallel_loop3A_267 = arith.constant 1 : i32
        %parallel_loop3A_268 = arith.constant 1 : i32
        %parallel_loop3A_269 = arith.index_cast %parallel_loop3A_267 : i32 to index
        %parallel_loop3A_270 = arith.index_cast %parallel_loop3A_268 : i32 to index
        %parallel_loop3A_271 = arith.index_cast %parallel_loop3A_266 : i32 to index
        %parallel_loop3A_272 = tpu.vector_load %arg6[%parallel_loop3A_269, %parallel_loop3A_270, %parallel_loop3A_271] {strides = array<i32>} : memref<2x4x4096xf32, #tpu.memory_space<vmem>>, vector<1x1x16xf32>,
        %parallel_loop3A_273 = vector.shape_cast %parallel_loop3A_272 : vector<1x1x16xf32> to vector<16xf32>
        %parallel_loop3A_274 = vector.shape_cast %parallel_loop3A_264 : vector<16xf32> to vector<1x1x16xf32>
        tpu.vector_store %arg6[%parallel_loop3A_269, %parallel_loop3A_270, %parallel_loop3A_271], %parallel_loop3A_274 {strides = array<i32>} : memref<2x4x4096xf32, #tpu.memory_space<vmem>>, vector<1x1x16xf32>,
      } {sc.loop_unroll_factor = 8 : i64, sc.parallel_access}
      %parallel_loop3A_224 = arith.constant 0 : i32
      %parallel_loop3A_225 = arith.constant 256 : i32
      %parallel_loop3A_226 = arith.constant 1 : i32
      scf.for %parallel_loop3A_248 = %parallel_loop3A_224 to %parallel_loop3A_225 step %parallel_loop3A_226  : i32 {
        %parallel_loop3A_249 = arith.constant 255 : i32
        %parallel_loop3A_250 = arith.subi %parallel_loop3A_249, %parallel_loop3A_248 : i32
        %parallel_loop3A_251 = arith.constant 16 : i32
        %parallel_loop3A_252 = arith.muli %parallel_loop3A_250, %parallel_loop3A_251 : i32
        %parallel_loop3A_253 = arith.constant 1 : i32
        %parallel_loop3A_254 = arith.constant 6 : i32
        %parallel_loop3A_255 = arith.index_cast %parallel_loop3A_253 : i32 to index
        %parallel_loop3A_256 = arith.index_cast %parallel_loop3A_254 : i32 to index
        %parallel_loop3A_257 = arith.index_cast %parallel_loop3A_252 : i32 to index
        %parallel_loop3A_258 = tpu.vector_load %arg5[%parallel_loop3A_255, %parallel_loop3A_256, %parallel_loop3A_257] {strides = array<i32>} : memref<2x8x4096xf32, #tpu.memory_space<vmem>>, vector<1x1x16xf32>,
        %parallel_loop3A_259 = vector.shape_cast %parallel_loop3A_258 : vector<1x1x16xf32> to vector<16xf32>
        %parallel_loop3A_260 = arith.constant 15 : i32
        %parallel_loop3A_261 = vector.broadcast %parallel_loop3A_260 : i32 to vector<16xi32>
        %parallel_loop3A_262 = tpu.iota {dimensions = array<i32: 0>} : vector<16xi32>
        %parallel_loop3A_263 = arith.subi %parallel_loop3A_261, %parallel_loop3A_262 : vector<16xi32>
        %parallel_loop3A_264 = tpu.dynamic_gather %parallel_loop3A_259[%parallel_loop3A_263] in [0] : vector<16xf32>, vector<16xi32> -> vector<16xf32>
        %parallel_loop3A_265 = arith.constant 16 : i32
        %parallel_loop3A_266 = arith.muli %parallel_loop3A_248, %parallel_loop3A_265 : i32
        %parallel_loop3A_267 = arith.constant 1 : i32
        %parallel_loop3A_268 = arith.constant 2 : i32
        %parallel_loop3A_269 = arith.index_cast %parallel_loop3A_267 : i32 to index
        %parallel_loop3A_270 = arith.index_cast %parallel_loop3A_268 : i32 to index
        %parallel_loop3A_271 = arith.index_cast %parallel_loop3A_266 : i32 to index
        %parallel_loop3A_272 = tpu.vector_load %arg6[%parallel_loop3A_269, %parallel_loop3A_270, %parallel_loop3A_271] {strides = array<i32>} : memref<2x4x4096xf32, #tpu.memory_space<vmem>>, vector<1x1x16xf32>,
        %parallel_loop3A_273 = vector.shape_cast %parallel_loop3A_272 : vector<1x1x16xf32> to vector<16xf32>
        %parallel_loop3A_274 = vector.shape_cast %parallel_loop3A_264 : vector<16xf32> to vector<1x1x16xf32>
        tpu.vector_store %arg6[%parallel_loop3A_269, %parallel_loop3A_270, %parallel_loop3A_271], %parallel_loop3A_274 {strides = array<i32>} : memref<2x4x4096xf32, #tpu.memory_space<vmem>>, vector<1x1x16xf32>,
      } {sc.loop_unroll_factor = 8 : i64, sc.parallel_access}
      %parallel_loop3A_227 = arith.constant 0 : i32
      %parallel_loop3A_228 = arith.constant 256 : i32
      %parallel_loop3A_229 = arith.constant 1 : i32
      scf.for %parallel_loop3A_248 = %parallel_loop3A_227 to %parallel_loop3A_228 step %parallel_loop3A_229  : i32 {
        %parallel_loop3A_249 = arith.constant 255 : i32
        %parallel_loop3A_250 = arith.subi %parallel_loop3A_249, %parallel_loop3A_248 : i32
        %parallel_loop3A_251 = arith.constant 16 : i32
        %parallel_loop3A_252 = arith.muli %parallel_loop3A_250, %parallel_loop3A_251 : i32
        %parallel_loop3A_253 = arith.constant 1 : i32
        %parallel_loop3A_254 = arith.constant 7 : i32
        %parallel_loop3A_255 = arith.index_cast %parallel_loop3A_253 : i32 to index
        %parallel_loop3A_256 = arith.index_cast %parallel_loop3A_254 : i32 to index
        %parallel_loop3A_257 = arith.index_cast %parallel_loop3A_252 : i32 to index
        %parallel_loop3A_258 = tpu.vector_load %arg5[%parallel_loop3A_255, %parallel_loop3A_256, %parallel_loop3A_257] {strides = array<i32>} : memref<2x8x4096xf32, #tpu.memory_space<vmem>>, vector<1x1x16xf32>,
        %parallel_loop3A_259 = vector.shape_cast %parallel_loop3A_258 : vector<1x1x16xf32> to vector<16xf32>
        %parallel_loop3A_260 = arith.constant 15 : i32
        %parallel_loop3A_261 = vector.broadcast %parallel_loop3A_260 : i32 to vector<16xi32>
        %parallel_loop3A_262 = tpu.iota {dimensions = array<i32: 0>} : vector<16xi32>
        %parallel_loop3A_263 = arith.subi %parallel_loop3A_261, %parallel_loop3A_262 : vector<16xi32>
        %parallel_loop3A_264 = tpu.dynamic_gather %parallel_loop3A_259[%parallel_loop3A_263] in [0] : vector<16xf32>, vector<16xi32> -> vector<16xf32>
        %parallel_loop3A_265 = arith.constant 16 : i32
        %parallel_loop3A_266 = arith.muli %parallel_loop3A_248, %parallel_loop3A_265 : i32
        %parallel_loop3A_267 = arith.constant 1 : i32
        %parallel_loop3A_268 = arith.constant 3 : i32
        %parallel_loop3A_269 = arith.index_cast %parallel_loop3A_267 : i32 to index
        %parallel_loop3A_270 = arith.index_cast %parallel_loop3A_268 : i32 to index
        %parallel_loop3A_271 = arith.index_cast %parallel_loop3A_266 : i32 to index
        %parallel_loop3A_272 = tpu.vector_load %arg6[%parallel_loop3A_269, %parallel_loop3A_270, %parallel_loop3A_271] {strides = array<i32>} : memref<2x4x4096xf32, #tpu.memory_space<vmem>>, vector<1x1x16xf32>,
        %parallel_loop3A_273 = vector.shape_cast %parallel_loop3A_272 : vector<1x1x16xf32> to vector<16xf32>
        %parallel_loop3A_274 = vector.shape_cast %parallel_loop3A_264 : vector<16xf32> to vector<1x1x16xf32>
        tpu.vector_store %arg6[%parallel_loop3A_269, %parallel_loop3A_270, %parallel_loop3A_271], %parallel_loop3A_274 {strides = array<i32>} : memref<2x4x4096xf32, #tpu.memory_space<vmem>>, vector<1x1x16xf32>,
      } {sc.loop_unroll_factor = 8 : i64, sc.parallel_access}
      %mul3A_230 = arith.constant 8 : i32
      %mul3A_231 = arith.muli %add3A_154, %mul3A_230 : i32
      %add3A_232 = arith.addi %mul3A_2, %mul3A_231 : i32
      %add3A_233 = arith.constant 4 : i32
      %add3A_234 = arith.addi %add3A_232, %add3A_233 : i32
      %dma_start3A_235 = arith.constant 1 : i32
      %dma_start3A_236 = arith.constant 0 : i32
      %dma_start3A_237 = arith.constant 0 : i32
      %dma_start3A_238 = tpu.memref_slice %arg6[%dma_start3A_235, %dma_start3A_236, %dma_start3A_237] : memref<2x4x4096xf32, #tpu.memory_space<vmem>> -> memref<1x4x4096xf32, #tpu.memory_space<vmem>>
      %dma_start3A_239 = tpu.memref_squeeze %dma_start3A_238 : memref<1x4x4096xf32, #tpu.memory_space<vmem>> -> memref<4x4096xf32, #tpu.memory_space<vmem>>
      %dma_start3A_240 = arith.constant 0 : i32
      %dma_start3A_241 = tpu.memref_slice %arg3[%add3A_234, %dma_start3A_240] : memref<8192x4096xf32, #tpu.memory_space<hbm>> -> memref<4x4096xf32, #tpu.memory_space<hbm>>
      %dma_start3A_242 = arith.constant 0 : i32
      %dma_start3A_243 = tpu.memref_slice %arg3[%add3A_234, %dma_start3A_242] : memref<8192x4096xf32, #tpu.memory_space<hbm>> -> memref<4x4096xf32, #tpu.memory_space<hbm>>
      %dma_start3A_244 = arith.constant 0 : i32
      %dma_start3A_245 = arith.constant 0 : i32
      %dma_start3A_246 = tpu.memref_slice %arg6[%dma_start3A_235, %dma_start3A_244, %dma_start3A_245] : memref<2x4x4096xf32, #tpu.memory_space<vmem>> -> memref<1x4x4096xf32, #tpu.memory_space<vmem>>
      %dma_start3A_247 = tpu.memref_squeeze %dma_start3A_246 : memref<1x4x4096xf32, #tpu.memory_space<vmem>> -> memref<4x4096xf32, #tpu.memory_space<vmem>>
      tpu.enqueue_dma source(%dma_start3A_247 : memref<4x4096xf32, #tpu.memory_space<vmem>>) target(%dma_start3A_243 : memref<4x4096xf32, #tpu.memory_space<hbm>>) target_semaphore(%arg11 : memref<!tpu.dma_semaphore, #tpu.memory_space<semaphore_mem>>)
    }
    %scan3A_23 = arith.constant 16 : i32
    %add3A_24 = arith.constant 248 : i32
    %add3A_25 = arith.addi %mul3A_2, %add3A_24 : i32
    %add3A_26 = arith.constant 0 : i32
    %add3A_27 = arith.addi %add3A_25, %add3A_26 : i32
    %dma_wait3A = arith.constant 0 : i32
    %dma_wait3A_28 = arith.constant 0 : i32
    %dma_wait3A_29 = arith.constant 0 : i32
    %dma_wait3A_30 = tpu.memref_slice %arg6[%dma_wait3A, %dma_wait3A_28, %dma_wait3A_29] : memref<2x4x4096xf32, #tpu.memory_space<vmem>> -> memref<1x4x4096xf32, #tpu.memory_space<vmem>>
    %dma_wait3A_31 = tpu.memref_squeeze %dma_wait3A_30 : memref<1x4x4096xf32, #tpu.memory_space<vmem>> -> memref<4x4096xf32, #tpu.memory_space<vmem>>
    %dma_wait3A_32 = arith.constant 0 : i32
    %dma_wait3A_33 = tpu.memref_slice %arg3[%add3A_27, %dma_wait3A_32] : memref<8192x4096xf32, #tpu.memory_space<hbm>> -> memref<4x4096xf32, #tpu.memory_space<hbm>>
    %dma_wait3A_34 = arith.constant 0 : i32
    %dma_wait3A_35 = tpu.memref_slice %arg3[%add3A_27, %dma_wait3A_34] : memref<8192x4096xf32, #tpu.memory_space<hbm>> -> memref<4x4096xf32, #tpu.memory_space<hbm>>
    %dma_wait3A_36 = arith.constant 0 : i32
    %dma_wait3A_37 = arith.constant 0 : i32
    %dma_wait3A_38 = tpu.memref_slice %arg6[%dma_wait3A, %dma_wait3A_36, %dma_wait3A_37] : memref<2x4x4096xf32, #tpu.memory_space<vmem>> -> memref<1x4x4096xf32, #tpu.memory_space<vmem>>
    %dma_wait3A_39 = tpu.memref_squeeze %dma_wait3A_38 : memref<1x4x4096xf32, #tpu.memory_space<vmem>> -> memref<4x4096xf32, #tpu.memory_space<vmem>>
    tpu.wait_dma2 semaphore(%arg10 : memref<!tpu.dma_semaphore, #tpu.memory_space<semaphore_mem>>) src(%dma_wait3A_39 : memref<4x4096xf32, #tpu.memory_space<vmem>>) dst(%dma_wait3A_35 : memref<4x4096xf32, #tpu.memory_space<hbm>>)
    %add3A_40 = arith.constant 248 : i32
    %add3A_41 = arith.addi %mul3A_2, %add3A_40 : i32
    %add3A_42 = arith.constant 4 : i32
    %add3A_43 = arith.addi %add3A_41, %add3A_42 : i32
    %dma_wait3A_44 = arith.constant 1 : i32
    %dma_wait3A_45 = arith.constant 0 : i32
    %dma_wait3A_46 = arith.constant 0 : i32
    %dma_wait3A_47 = tpu.memref_slice %arg6[%dma_wait3A_44, %dma_wait3A_45, %dma_wait3A_46] : memref<2x4x4096xf32, #tpu.memory_space<vmem>> -> memref<1x4x4096xf32, #tpu.memory_space<vmem>>
    %dma_wait3A_48 = tpu.memref_squeeze %dma_wait3A_47 : memref<1x4x4096xf32, #tpu.memory_space<vmem>> -> memref<4x4096xf32, #tpu.memory_space<vmem>>
    %dma_wait3A_49 = arith.constant 0 : i32
    %dma_wait3A_50 = tpu.memref_slice %arg3[%add3A_43, %dma_wait3A_49] : memref<8192x4096xf32, #tpu.memory_space<hbm>> -> memref<4x4096xf32, #tpu.memory_space<hbm>>
    %dma_wait3A_51 = arith.constant 0 : i32
    %dma_wait3A_52 = tpu.memref_slice %arg3[%add3A_43, %dma_wait3A_51] : memref<8192x4096xf32, #tpu.memory_space<hbm>> -> memref<4x4096xf32, #tpu.memory_space<hbm>>
    %dma_wait3A_53 = arith.constant 0 : i32
    %dma_wait3A_54 = arith.constant 0 : i32
    %dma_wait3A_55 = tpu.memref_slice %arg6[%dma_wait3A_44, %dma_wait3A_53, %dma_wait3A_54] : memref<2x4x4096xf32, #tpu.memory_space<vmem>> -> memref<1x4x4096xf32, #tpu.memory_space<vmem>>
    %dma_wait3A_56 = tpu.memref_squeeze %dma_wait3A_55 : memref<1x4x4096xf32, #tpu.memory_space<vmem>> -> memref<4x4096xf32, #tpu.memory_space<vmem>>
    tpu.wait_dma2 semaphore(%arg11 : memref<!tpu.dma_semaphore, #tpu.memory_space<semaphore_mem>>) src(%dma_wait3A_56 : memref<4x4096xf32, #tpu.memory_space<vmem>>) dst(%dma_wait3A_52 : memref<4x4096xf32, #tpu.memory_space<hbm>>)
    return
  }
}

</mosaic_0001>

<sc_bundles>
// kernel: kernel.3.cloned.1.call-start
scs
__scs_entry_jumppad:
0x0: {  	(pc) =	sbr.rel $0x88, $3  }
0x1: {  	(tag) =	ssettag $0x0;
	lr =	simm.s32 $0x1  }
0x2: {  	[smem:$0x3FA0] =	sst lr;
	_ =	strace $0xD0000000  }
0x3: {  	_ = 	snop  }
0x4: {  	_ = 	snop  }
0x5: {  	_ = 	snop  }
0x6: {  	_ = 	snop  }
0x7: {  	_ = 	snop  }
__scs_overlays_trampoline_lowered:
0x8: {  	[smem:$0x3FAF] =	sst s0  }
0x9: {  	[smem:$0x3FB0] =	sst s1  }
0xa: {  	[smem:$0x3FB1] =	sst s2  }
0xb: {  	[smem:$0x3FB2] =	sst s3  }
0xc: {  	[smem:$0x3FB3] =	sst s4  }
0xd: {  	[smem:$0x3FB4] =	sst s5  }
0xe: {  	[smem:$0x3FB5] =	sst s6  }
0xf: {  	[smem:$0x3FB6] =	sst s7  }
0x10: {  	[smem:$0x3FB7] =	sst s8  }
0x11: {  	[smem:$0x3FB8] =	sst s9;
	s0 =	simm.s32 @!p0 $0x0  }
0x12: {  	s1 =	sld [smem:$0x3F9E];
	s0 =	simm.s32 @p0 $0x1  }
0x13: {  	[smem:$0x3FB9] =	sst s0;
	s0 =	simm.s32 @!p1 $0x0  }
0x14: {  	s2 =	sld [smem:$0x3F9D];
	s0 =	simm.s32 @p1 $0x1  }
0x15: {  	[smem:$0x3FBA] =	sst s0;
	s0 =	simm.s32 @!p2 $0x0  }
0x16: {  	s3 =	sld [smem:$0x3FDB];
	s0 =	simm.s32 @p2 $0x1  }
0x17: {  	s4 =	simm.s32 $0x1BF5;
	[smem:$0x3FBC] =	sst s0  }
0x18: {  	s0 =	sld [smem:$0x3F9F];
	_ =	swait.ge [sflag:s4], $0x0  }
0x19: {  	s7 =	sld [smem:$0x3FA0]  }
0x1a: {  	s8 =	sadd.s32 $0xFFFFE003, lr  }
0x1b: {  	s9 =	sadd.s32 $0xFFFFFEF7, lr;
	s5 =	simm.s32 $0xFFFFFFFF;
	p2 =	slt.u32 s8, $0xFFFFF086  }
0x1c: {  	p1 =	slt.u32 s9, $0xF7A;
	s5 =	simm.s32 @!p2 $0x0  }
0x1d: {  	s5 =	simm.s32 @p1 $0x1;
	p0 =	seq.s32 s7, s2  }
0x1e: {  	s7 =	smul.u32 @!p0 $0xF7A, s2;
	p2 =	seq.s32 @!p0 s5, $0x0  }
0x1f: {  	s9 =	smul.u32 $0xF7A, s1;
	s8 =	simm.s32 @!p0 $0x1BF5;
	p2 =	por !p2, p0  }
0x20: {  	[sflag:s8] =	ssyncset.s32 @!p0 $0xFFFFF086;
	s6 =	sadd.s32 @!p0 s3, s7;
	s7 =	simm.s32 @!p0 $0x108  }
0x21: {  	s3 =	sadd.s32 s3, s9;
	s6 =	sadd.s32 @!p0 $0x88, s6;
	s7 =	simm.s32 @p2 $0x1082  }
0x22: {  	[simem:s7], [sflag:s8] =	dma.local @!p0 [hbm:s6], $0xF7A  }
0x23: {  	s9 =	sor.u32 $0xD0000000, s2;
	s6 =	simm.s32 $0x108;
	_ =	swait.ge @!p0 [sflag:s8], $0x0  }
0x24: {  	s3 =	sadd.s32 $0x88, s3;
	s6 =	simm.s32 @!p1 $0x1082;
	[sflag:s4] =	ssyncset.s32 $0xFFFFF086  }
0x25: {  	[simem:s6], [sflag:s4] =	dma.local [hbm:s3], $0xF7A  }
0x26: {  	[smem:$0x3FA0] =	sst s1;
	(tag) =	ssettag s2;
	_ =	strace s9  }
0x27: {  	s1 =	sld [smem:$0x3FB0]  }
0x28: {  	s2 =	sld [smem:$0x3FB1]  }
0x29: {  	s4 =	sld [smem:$0x3FB3]  }
0x2a: {  	p0 =	seq.s32 s5, $0x0;
	s5 =	sld [smem:$0x3FB4]  }
0x2b: {  	s6 =	sld [smem:$0x3FB5]  }
0x2c: {  	s7 =	sld [smem:$0x3FB6]  }
0x2d: {  	s3 =	simm.s32 $0x108;
	s8 =	sld [smem:$0x3FB7]  }
0x2e: {  	s3 =	simm.s32 @!p0 $0x1082;
	s9 =	sld [smem:$0x3FB8]  }
0x2f: {  	lr =	sadd.s32 s0, s3;
	s0 =	sld [smem:$0x3FAF]  }
0x30: {  	s3 =	sld [smem:$0x3FB2]  }
0x31: {  	[smem:$0x3FBB] =	sst s10  }
0x32: {  	s10 =	sld [smem:$0x3FB9];
	_ =	sdelay $0x3  }
0x33: {  	p0 =	seq.s32 s10, $0x1;
	s10 =	sld [smem:$0x3FBB];
	_ =	sdelay $0x3  }
0x34: {  	[smem:$0x3FBB] =	sst s10  }
0x35: {  	s10 =	sld [smem:$0x3FBA];
	_ =	sdelay $0x3  }
0x36: {  	p1 =	seq.s32 s10, $0x1;
	s10 =	sld [smem:$0x3FBB];
	_ =	sdelay $0x3  }
0x37: {  	[smem:$0x3FBB] =	sst s10  }
0x38: {  	s10 =	sld [smem:$0x3FBC]  }
0x39: {  	_ = 	snop;
	(pc) =	sbr.ind lr, $3  }
0x3a: {  	_ = 	snop  }
0x3b: {  	_ = 	snop  }
0x3c: {  	p2 =	seq.s32 s10, $0x1;
	s10 =	sld [smem:$0x3FBB]  }
0x3d: {  	_ =	shalt  }
0x3e: {  	_ =	shalt  }
0x3f: {  	_ =	shalt  }
0x40: {  	_ =	shalt  }
0x41: {  	_ =	shalt  }
0x42: {  	_ =	shalt  }
0x43: {  	_ =	shalt  }
0x44: {  	_ =	shalt  }
0x45: {  	_ =	shalt  }
0x46: {  	_ =	shalt  }
0x47: {  	_ =	shalt  }
0x48: {  	_ =	shalt  }
0x49: {  	_ =	shalt  }
0x4a: {  	_ =	shalt  }
0x4b: {  	_ =	shalt  }
0x4c: {  	_ =	shalt  }
0x4d: {  	_ =	shalt  }
0x4e: {  	_ =	shalt  }
0x4f: {  	_ =	shalt  }
0x50: {  	_ =	shalt  }
0x51: {  	_ =	shalt  }
0x52: {  	_ =	shalt  }
0x53: {  	_ =	shalt  }
0x54: {  	_ =	shalt  }
0x55: {  	_ =	shalt  }
0x56: {  	_ =	shalt  }
0x57: {  	_ =	shalt  }
0x58: {  	_ =	shalt  }
0x59: {  	_ =	shalt  }
0x5a: {  	_ =	shalt  }
0x5b: {  	_ =	shalt  }
0x5c: {  	_ =	shalt  }
0x5d: {  	_ =	shalt  }
0x5e: {  	_ =	shalt  }
0x5f: {  	_ =	shalt  }
0x60: {  	_ =	shalt  }
0x61: {  	_ =	shalt  }
0x62: {  	_ =	shalt  }
0x63: {  	_ =	shalt  }
0x64: {  	_ =	shalt  }
0x65: {  	_ =	shalt  }
0x66: {  	_ =	shalt  }
0x67: {  	_ =	shalt  }
0x68: {  	_ =	shalt  }
0x69: {  	_ =	shalt  }
0x6a: {  	_ =	shalt  }
0x6b: {  	_ =	shalt  }
0x6c: {  	_ =	shalt  }
0x6d: {  	_ =	shalt  }
0x6e: {  	_ =	shalt  }
0x6f: {  	_ =	shalt  }
0x70: {  	_ =	shalt  }
0x71: {  	_ =	shalt  }
0x72: {  	_ =	shalt  }
0x73: {  	_ =	shalt  }
0x74: {  	_ =	shalt  }
0x75: {  	_ =	shalt  }
0x76: {  	_ =	shalt  }
0x77: {  	_ =	shalt  }
0x78: {  	_ =	shalt  }
0x79: {  	_ =	shalt  }
0x7a: {  	_ =	shalt  }
0x7b: {  	_ =	shalt  }
0x7c: {  	_ =	shalt  }
0x7d: {  	_ =	shalt  }
0x7e: {  	_ =	shalt  }
0x7f: {  	_ =	shalt  }
0x80: {  	_ =	shalt  }
0x81: {  	_ =	shalt  }
0x82: {  	_ =	shalt  }
0x83: {  	_ =	shalt  }
0x84: {  	_ =	shalt  }
0x85: {  	_ =	shalt  }
0x86: {  	_ =	shalt  }
0x87: {  	_ =	shalt  }
.Lfunc_end0:
.L_simem_size_0:
called_computation_lowered:
.L_overlay_start_0:
0x88: {  	s2 =	sld [smem:$0x3FD9]  }
0x89: {  	s3 =	sld [smem:$0x3FFE];
	_ =	sdelay $0x1  }
0x8a: {  	s1 =	srdreg.scid  }
0x8b: {  	s0 =	sand.u32 $0x1, s1  }
0x8c: {  	s15 =	sshll.u32 s0, $0xA;
	s2 =	sadd.s32 s3, s2  }
0x8d: {  	s2 =	sadd.s32 s2, s15  }
0x8e: {  	[smem:$0x3FC7] =	sst s2  }
0x8f: {  	_ = 	snop  }
0x90: {  	s2 =	sld [smem:$0x3FD0];
	_ =	sdelay $0x2  }
0x91: {  	s4 =	simm.s32 $0xA;
	s5 =	simm.s32 $0x10;
	s16 =	sld [smem:$0x3FC9]  }
0x92: {  	[smem:s5], [sflag:s4] =	dma.local [hbm:s2], $0x1  }
0x93: {  	_ =	swait.eq [sflag:s4], $0x1  }
0x94: {  	[sflag:s4] =	ssyncset.done $0x0  }
0x95: {  	s17 =	sld [smem:$0x10];
	[sflag:s4] =	ssyncadd.s32 $0xFFFFFFFF  }
0x96: {  	s18 =	sld [smem:$0x11];
	(tm) =	ssettm $0x1  }
0x97: {  	s19 =	sld [smem:$0x3FFB];
	_ =	sdelay $0x3  }
0x98: {  	_ =	strace s19  }
0x99: {  	s5 =	sld [smem:$0x3FFC];
	_ =	sdelay $0x3  }
0x9a: {  	_ =	strace s5  }
0x9b: {  	s5 =	sld [smem:$0x3FFD];
	_ =	sdelay $0x3  }
0x9c: {  	_ =	strace s5  }
0x9d: {  	_ =	strace $0x8FFFFFFF  }
0x9e: {  	s20 =	sld [smem:$0x3FDB];
	_ =	sdelay $0x1  }
0x9f: {  	s6 =	simm.s32 $_scs_section_size  }
0xa0: {  	s7 =	simm.s32 $_size__tile_overlayer_lowered;
	s8 =	simm.s32 $_tile_overlayer_lowered  }
0xa1: {  	s23 =	simm.s32 $0x1BFF;
	s22 =	sshll.u32 s8, $0x1;
	s5 =	sadd.s32 s6, s20  }
0xa2: {  	s9 =	simm.s32 $0x0;
	s21 =	sshll.u32 s7, $0x1;
	s7 =	sadd.s32 s22, s5  }
0xa3: {  	[timem:s9], [sflag:s23] =	dma.local [hbm:s7], s21  }
0xa4: {  	_ =	swait.ge [sflag:s23], s21  }
0xa5: {  	s6 =	ssub.s32 $0x0, s21;
	[sflag:s23] =	ssyncset.done $0x0  }
0xa6: {  	[sflag:s23] =	ssyncadd.s32 s6;
	_ =	sdelay $0x1  }
0xa7: {  	s24 =	simm.s32 $0x1B8B  }
0xa8: {  	_ =	swait.ge [sflag:s24], $0x1  }
0xa9: {  	[sflag:s24] =	ssyncset.done $0x0  }
0xaa: {  	s25 =	simm.s32 $0x1B8E;
	[sflag:s24] =	ssyncadd.s32 $0xFFFFFFFF  }
0xab: {  	s26 =	simm.s32 $execute0_lowered;
	[smem:$0x3FD2] =	sst s25  }
0xac: {  	s6 =	sshll.u32 s26, $0x1;
	_ =	strace $0x80000046;
	[dreg:$0x1] =	wrdreg $0xFFFFFFFF  }
0xad: {  	s28 =	simm.s32 $_size_execute0_lowered;
	s5 =	sadd.s32 s5, s6;
	[dreg:$0x0] =	wrdreg $0x0  }
0xae: {  	s6 =	sshll.u32 s28, $0x1;
	[dreg:$0x2] =	wrdreg s5  }
0xaf: {  	[dreg:$0x3] =	wrdreg s6  }
0xb0: {  	[dreg:$0x4] =	wrdreg $0xC0  }
0xb1: {  	_ =	task [dreg:s9], $0x5FFFF  }
0xb2: {  	[dreg:$0x1] =	wrdreg $0xFFFFFFFF  }
0xb3: {  	[dreg:$0x0] =	wrdreg $0x60  }
0xb4: {  	[dreg:$0x2] =	wrdreg s16  }
0xb5: {  	[dreg:$0x3] =	wrdreg s17  }
0xb6: {  	[dreg:$0x4] =	wrdreg s18  }
0xb7: {  	[dreg:$0x5] =	wrdreg $0x9  }
0xb8: {  	_ =	task.clear_ibuf [dreg:s9], $0x6FFFF;
	_ =	strace $0x90000046  }
0xb9: {  	s29 =	simm.s32 $0x9;
	_ =	strace $0x80000048  }
0xba: {  	_ =	swait.ge [sflag:s29], $0x1  }
0xbb: {  	[sflag:s29] =	ssyncadd.s32 $0xFFFFFFFF  }
0xbc: {  	_ =	strace $0x90000048  }
0xbd: {  	_ =	sfence  }
0xbe: {  	s30 =	sld [smem:$0x0];
	_ =	sdelay $0x2  }
0xbf: {  	s31 =	sshll.u32 s1, $0xD;
	s1 =	sshrl.u32 s1, $0x2  }
0xc0: {  	s3 =	sand.u32 $0x4000, s31;
	s1 =	sadd.s32 s1, s30  }
0xc1: {  	s0 =	sor.u32 s3, s0;
	s1 =	sshll.u32 s1, $0x11  }
0xc2: {  	s0 =	sor.u32 s1, s0  }
0xc3: {  	s0 =	sadd.s32 $0x8F2B, s0  }
0xc4: {  	[sflag:s0] =	ssyncadd.remote.s32 $0x1  }
0xc5: {  	_ =	sfence.sel $0xFFFF  }
0xc6: {  	[dreg:$0x0] =	wrdreg $0xFFFFFFFF;
	(pc) =	sbr.abs _section_cstart, $3  }
0xc7: {  	[dreg:$0x1] =	wrdreg $0xFFFFFFFF  }
0xc8: {  	_ =	task.clear_ibuf [dreg:s9], $0x2FFFF;
	_ =	strace $0x9FFFFFFF  }
0xc9: {  	(tm) =	ssettm $0x7FFFFFFF  }
tec
execute0_lowered:
.L_overlay_start_1:
0x0: {  	(tag) =	ssettag $0x1  }
0x1: {  	s1 =	rddreg [dreg:$0x0]  }
0x2: {  	s2 =	rddreg [dreg:$0x1]  }
0x3: {  	s0 =	rddreg [dreg:$0x2];
	s3 =	srdreg.scid  }
0x4: {  	s4 =	simm.s32 $0x0;
	s5 =	stileid.u32;
	s12 =	simm.s32 $0x18000  }
0x5: {  	s13 =	simm.s32 $0x5;
	s14 =	simm.s32 $0x8000;
	s15 =	simm.s32 $0x1  }
0x6: {  	s16 =	simm.s32 $0x200;
	s17 =	simm.s32 $0x400;
	s18 =	simm.s32 $0x10000  }
0x7: {  	s19 =	simm.s32 $0x14000;
	s20 =	simm.s32 $0x2;
	s21 =	simm.s32 $0x3  }
0x8: {  	s22 =	simm.s32 $0x4;
	s23 =	simm.s32 $0x0;
	s3 =	sand.u32 $0x1, s3  }
0x9: {  	[smem:$0x7FF] =	sst s4;
	s5 =	sshll.u32 s5, $0x9;
	s6 =	sshll.u32 s3, $0x8  }
0xa: {  	v0 =	vlaneseq.u32;
	s9 =	sadd.s32 $0x40, s2;
	s3 =	ssub.s32 $0x2, s3;
	s6 =	sor.u32 s6, s5  }
0xb: {  	v1 =	vmul.u32 $0xFFFFFFFF, v0;
	_ =	strace $0x80000047;
	s7 =	sshrl.u32 s3, $0x1;
	s5 =	sshrl.u32 s6, $0x3  }
0xc: {  	s6 =	sshll.u32 s6, $0x9;
	s3 =	ssub.s32 s3, s7;
	s7 =	sadd.s32 s0, s5  }
0xd: {  	v0 =	vimm.f32 $0.0e+00;
	v1 =	vadd.s32 $0xF, v1;
	s8 =	sadd.s32 s1, s6;
	s10 =	sor.u32 $0x2, s5;
	s11 =	smax.u32 s3, $0x1  }
.LBB2_1:
0xe: {  	s0 =	simm.s32 $0x40;
	s3 =	simm.s32 $0x0  }
.LBB2_2:
0xf: {  	p0 =	sne.s32 s0, $0x3C0;
	[tilespmem:s3+$0x18000] =	vst v0;
	s3 =	smov.u32 s0;
	s0 =	sadd.s32 $0x40, s0  }
.Ltmp0:
0x10: {  	(pc) =	sbr.rel @p0 .LBB2_2-.Ltmp0, $2  }
0x11: {  	_ =	sdelay $0x2  }
0x12: {  	s3 =	sshra.s32 s3, $0x2  }
0x13: {  	[tilespmem:s3+$0x18000] =	vst v0;
	s24 =	simm.s32 $0x0  }
0x14: {  	[hbm4b:s7+s24] =	stream.linear.scatter [tilespmem:s12], [sflag:$0x5], $0x100, $0x38;
	[tilespmem:$0x18100] =	vst v63  }
0x15: {  	_ =	swait.ge [sflag:s13], $0x100  }
0x16: {  	[sflag:s13] =	ssyncset.done $0x0  }
0x17: {  	[sflag:s13] =	ssyncadd.s32 $0xFFFFFF00  }
0x18: {  	[tilespmem:s24], [sflag:$0x1] =	stream.linear.gather [hbm4b:s8+s24], $0x8000, $0x38;
	[tilespmem:$0x18100] =	vst v63  }
.LBB2_4:
0x19: {  	s25 =	sshllo.u32 s24, $0x1  }
0x1a: {  	s0 =	sadd.s32 s5, s25  }
0x1b: {  	s0 =	sshll.u32 s0, $0xC  }
0x1c: {  	s0 =	sadd.s32 s1, s0  }
0x1d: {  	[tilespmem:s14], [sflag:$0x2] =	stream.linear.gather [hbm4b:s0+s4], $0x8000, $0x38;
	[tilespmem:$0x18100] =	vst v63  }
0x1e: {  	_ =	swait.ge [sflag:s15], $0x8000  }
0x1f: {  	p0 =	seq.s32 s24, $0x0;
	[sflag:s15] =	ssyncset.done $0x0  }
0x20: {  	s0 =	simm.s32 @!p0 $0x3;
	[sflag:s15] =	ssyncadd.s32 $0xFFFF8000  }
0x21: {  	_ =	swait.ge @!p0 [sflag:s0], $0x4000  }
0x22: {  	[sflag:s0] =	ssyncset.done @!p0 $0x0  }
0x23: {  	s3 =	simm.s32 $0x7C00;
	[sflag:s0] =	ssyncadd.s32 @!p0 $0xFFFFC000  }
0x24: {  	v5 =	vld [tilespmem:s3+$0x0]  }
0x25: {  	v6 =	vld [tilespmem:s3+$0x60]  }
0x26: {  	v8 =	vld [tilespmem:s3+$0x50]  }
0x27: {  	v4 =	vld [tilespmem:s3+$0x40]  }
0x28: {  	v3 =	vld [tilespmem:s3+$0x30]  }
0x29: {  	v2 =	vld [tilespmem:s3+$0x20];
	v9 =	vperm.xlane v5, v1  }
0x2a: {  	s26 =	sshll.u32 s24, $0x1;
	s28 =	simm.s32 $0x10040;
	s31 =	simm.s32 $0x0;
	v5 =	vld [tilespmem:s3+$0x10];
	v7 =	vperm.xlane v6, v1  }
0x2b: {  	s30 =	simm.s32 $0x7C80;
	s29 =	simm.s32 $0x100F0;
	s0 =	simm.s32 $0x7800;
	v6 =	vld [tilespmem:s3+$0x70];
	v8 =	vperm.xlane v8, v1;
	[tilespmem:s28+$0x30] =	vst v9  }
.LBB2_5:
0x2c: {  	v9 =	vld [tilespmem:s0+$0x0];
	s31 =	sadd.s32 $0x8, s31;
	[tilespmem:s28+$0xFFFFFFD0] =	vst v7;
	v4 =	vperm.xlane v4, v1  }
0x2d: {  	v7 =	vld [tilespmem:s0+$0x60];
	p1 =	slt.u32 s31, $0xF8;
	[tilespmem:s28+$0xFFFFFFE0] =	vst v8;
	v3 =	vperm.xlane v3, v1  }
0x2e: {  	v8 =	vld [tilespmem:s0+$0x50];
	[tilespmem:s28+$0xFFFFFFF0] =	vst v4;
	v2 =	vperm.xlane v2, v1  }
.Ltmp1:
0x2f: {  	v4 =	vld [tilespmem:s0+$0x40];
	[tilespmem:s28+$0x0] =	vst v3;
	v5 =	vperm.xlane v5, v1;
	(pc) =	sbr.rel @p1 .LBB2_5-.Ltmp1, $4  }
0x30: {  	v3 =	vld [tilespmem:s0+$0x30];
	v6 =	vperm.xlane v6, v1;
	[tilespmem:s28+$0x10] =	vst v2  }
0x31: {  	v2 =	vld [tilespmem:s0+$0x20];
	v9 =	vperm.xlane v9, v1;
	[tilespmem:s28+$0x20] =	vst v5  }
0x32: {  	v7 =	vperm.xlane v7, v1;
	v5 =	vld [tilespmem:s0+$0x10];
	[tilespmem:s28+$0xFFFFFFC0] =	vst v6;
	s28 =	sadd.s32 $0x200, s28  }
0x33: {  	v6 =	vld [tilespmem:s0+$0x70];
	v8 =	vperm.xlane v8, v1;
	[tilespmem:s28+$0x30] =	vst v9;
	s0 =	sadd.s32 $0xFFFFFC00, s0  }
0x34: {  	[tilespmem:s28+$0xFFFFFFD0] =	vst v7;
	v4 =	vperm.xlane v4, v1  }
0x35: {  	[tilespmem:s28+$0xFFFFFFE0] =	vst v8;
	v3 =	vperm.xlane v3, v1  }
0x36: {  	[tilespmem:s28+$0xFFFFFFF0] =	vst v4;
	v2 =	vperm.xlane v2, v1  }
0x37: {  	[tilespmem:s28+$0x0] =	vst v3;
	v3 =	vperm.xlane v5, v1  }
0x38: {  	v4 =	vperm.xlane v6, v1;
	[tilespmem:s28+$0x10] =	vst v2  }
0x39: {  	[tilespmem:s28+$0x20] =	vst v3  }
0x3a: {  	[tilespmem:s28+$0xFFFFFFC0] =	vst v4  }
0x3b: {  	v4 =	vld [tilespmem:s30+$0x0]  }
0x3c: {  	v6 =	vld [tilespmem:s30+$0x60]  }
0x3d: {  	v8 =	vld [tilespmem:s30+$0x50]  }
0x3e: {  	v5 =	vld [tilespmem:s30+$0x40]  }
0x3f: {  	v3 =	vld [tilespmem:s30+$0x30]  }
0x40: {  	v2 =	vld [tilespmem:s30+$0x20];
	v9 =	vperm.xlane v4, v1  }
0x41: {  	s31 =	simm.s32 $0x0;
	v4 =	vld [tilespmem:s30+$0x10];
	v7 =	vperm.xlane v6, v1  }
0x42: {  	s0 =	simm.s32 $0x7880;
	s28 =	simm.s32 $0x10170;
	v6 =	vld [tilespmem:s30+$0x70];
	v8 =	vperm.xlane v8, v1;
	s30 =	simm.s32 $0x7D00;
	[tilespmem:s29+$0x0] =	vst v9  }
.LBB2_7:
0x43: {  	v9 =	vld [tilespmem:s0+$0x0];
	s31 =	sadd.s32 $0x8, s31;
	[tilespmem:s29+$0xFFFFFFA0] =	vst v7;
	v5 =	vperm.xlane v5, v1  }
0x44: {  	v7 =	vld [tilespmem:s0+$0x60];
	p1 =	slt.u32 s31, $0xF8;
	[tilespmem:s29+$0xFFFFFFB0] =	vst v8;
	v3 =	vperm.xlane v3, v1  }
0x45: {  	v8 =	vld [tilespmem:s0+$0x50];
	[tilespmem:s29+$0xFFFFFFC0] =	vst v5;
	v2 =	vperm.xlane v2, v1  }
.Ltmp2:
0x46: {  	v5 =	vld [tilespmem:s0+$0x40];
	[tilespmem:s29+$0xFFFFFFD0] =	vst v3;
	v4 =	vperm.xlane v4, v1;
	(pc) =	sbr.rel @p1 .LBB2_7-.Ltmp2, $4  }
0x47: {  	v3 =	vld [tilespmem:s0+$0x30];
	v6 =	vperm.xlane v6, v1;
	[tilespmem:s29+$0xFFFFFFE0] =	vst v2  }
0x48: {  	v2 =	vld [tilespmem:s0+$0x20];
	v9 =	vperm.xlane v9, v1;
	[tilespmem:s29+$0xFFFFFFF0] =	vst v4  }
0x49: {  	v7 =	vperm.xlane v7, v1;
	v4 =	vld [tilespmem:s0+$0x10];
	[tilespmem:s29+$0xFFFFFF90] =	vst v6;
	s29 =	sadd.s32 $0x200, s29  }
0x4a: {  	v6 =	vld [tilespmem:s0+$0x70];
	v8 =	vperm.xlane v8, v1;
	[tilespmem:s29+$0x0] =	vst v9;
	s0 =	sadd.s32 $0xFFFFFC00, s0  }
0x4b: {  	[tilespmem:s29+$0xFFFFFFA0] =	vst v7;
	v5 =	vperm.xlane v5, v1  }
0x4c: {  	[tilespmem:s29+$0xFFFFFFB0] =	vst v8;
	v3 =	vperm.xlane v3, v1  }
0x4d: {  	[tilespmem:s29+$0xFFFFFFC0] =	vst v5;
	v2 =	vperm.xlane v2, v1  }
0x4e: {  	[tilespmem:s29+$0xFFFFFFD0] =	vst v3;
	v3 =	vperm.xlane v4, v1  }
0x4f: {  	v4 =	vperm.xlane v6, v1;
	[tilespmem:s29+$0xFFFFFFE0] =	vst v2  }
0x50: {  	[tilespmem:s29+$0xFFFFFFF0] =	vst v3  }
0x51: {  	[tilespmem:s29+$0xFFFFFF90] =	vst v4  }
0x52: {  	v4 =	vld [tilespmem:s30+$0x0]  }
0x53: {  	v6 =	vld [tilespmem:s30+$0x60]  }
0x54: {  	v8 =	vld [tilespmem:s30+$0x50]  }
0x55: {  	v5 =	vld [tilespmem:s30+$0x40]  }
0x56: {  	v3 =	vld [tilespmem:s30+$0x30]  }
0x57: {  	v2 =	vld [tilespmem:s30+$0x20];
	v9 =	vperm.xlane v4, v1  }
0x58: {  	s31 =	simm.s32 $0x0;
	v4 =	vld [tilespmem:s30+$0x10];
	v7 =	vperm.xlane v6, v1  }
0x59: {  	s0 =	simm.s32 $0x7900;
	s29 =	simm.s32 $0x101F0;
	v6 =	vld [tilespmem:s30+$0x70];
	v8 =	vperm.xlane v8, v1;
	s30 =	simm.s32 $0x7D80;
	[tilespmem:s28+$0x0] =	vst v9  }
.LBB2_9:
0x5a: {  	v9 =	vld [tilespmem:s0+$0x0];
	s31 =	sadd.s32 $0x8, s31;
	[tilespmem:s28+$0xFFFFFFA0] =	vst v7;
	v5 =	vperm.xlane v5, v1  }
0x5b: {  	v7 =	vld [tilespmem:s0+$0x60];
	p1 =	slt.u32 s31, $0xF8;
	[tilespmem:s28+$0xFFFFFFB0] =	vst v8;
	v3 =	vperm.xlane v3, v1  }
0x5c: {  	v8 =	vld [tilespmem:s0+$0x50];
	[tilespmem:s28+$0xFFFFFFC0] =	vst v5;
	v2 =	vperm.xlane v2, v1  }
.Ltmp3:
0x5d: {  	v5 =	vld [tilespmem:s0+$0x40];
	[tilespmem:s28+$0xFFFFFFD0] =	vst v3;
	v4 =	vperm.xlane v4, v1;
	(pc) =	sbr.rel @p1 .LBB2_9-.Ltmp3, $4  }
0x5e: {  	v3 =	vld [tilespmem:s0+$0x30];
	v6 =	vperm.xlane v6, v1;
	[tilespmem:s28+$0xFFFFFFE0] =	vst v2  }
0x5f: {  	v2 =	vld [tilespmem:s0+$0x20];
	v9 =	vperm.xlane v9, v1;
	[tilespmem:s28+$0xFFFFFFF0] =	vst v4  }
0x60: {  	v7 =	vperm.xlane v7, v1;
	v4 =	vld [tilespmem:s0+$0x10];
	[tilespmem:s28+$0xFFFFFF90] =	vst v6;
	s28 =	sadd.s32 $0x200, s28  }
0x61: {  	v6 =	vld [tilespmem:s0+$0x70];
	v8 =	vperm.xlane v8, v1;
	[tilespmem:s28+$0x0] =	vst v9;
	s0 =	sadd.s32 $0xFFFFFC00, s0  }
0x62: {  	[tilespmem:s28+$0xFFFFFFA0] =	vst v7;
	v5 =	vperm.xlane v5, v1  }
0x63: {  	[tilespmem:s28+$0xFFFFFFB0] =	vst v8;
	v3 =	vperm.xlane v3, v1  }
0x64: {  	[tilespmem:s28+$0xFFFFFFC0] =	vst v5;
	v2 =	vperm.xlane v2, v1  }
0x65: {  	[tilespmem:s28+$0xFFFFFFD0] =	vst v3;
	v3 =	vperm.xlane v4, v1  }
0x66: {  	v4 =	vperm.xlane v6, v1;
	[tilespmem:s28+$0xFFFFFFE0] =	vst v2  }
0x67: {  	[tilespmem:s28+$0xFFFFFFF0] =	vst v3  }
0x68: {  	[tilespmem:s28+$0xFFFFFF90] =	vst v4  }
0x69: {  	v4 =	vld [tilespmem:s30+$0x0]  }
0x6a: {  	v6 =	vld [tilespmem:s30+$0x60]  }
0x6b: {  	v8 =	vld [tilespmem:s30+$0x50]  }
0x6c: {  	v5 =	vld [tilespmem:s30+$0x40]  }
0x6d: {  	v3 =	vld [tilespmem:s30+$0x30]  }
0x6e: {  	v2 =	vld [tilespmem:s30+$0x20];
	v9 =	vperm.xlane v4, v1  }
0x6f: {  	v4 =	vld [tilespmem:s30+$0x10];
	v7 =	vperm.xlane v6, v1  }
0x70: {  	s0 =	simm.s32 $0x0;
	s3 =	simm.s32 $0x7980;
	v6 =	vld [tilespmem:s30+$0x70];
	v8 =	vperm.xlane v8, v1;
	[tilespmem:s29+$0x0] =	vst v9  }
.LBB2_11:
0x71: {  	v9 =	vld [tilespmem:s3+$0x0];
	s0 =	sadd.s32 $0x8, s0;
	[tilespmem:s29+$0xFFFFFFA0] =	vst v7;
	v5 =	vperm.xlane v5, v1  }
0x72: {  	v7 =	vld [tilespmem:s3+$0x60];
	p1 =	slt.u32 s0, $0xF8;
	[tilespmem:s29+$0xFFFFFFB0] =	vst v8;
	v3 =	vperm.xlane v3, v1  }
0x73: {  	v8 =	vld [tilespmem:s3+$0x50];
	[tilespmem:s29+$0xFFFFFFC0] =	vst v5;
	v2 =	vperm.xlane v2, v1  }
.Ltmp4:
0x74: {  	v5 =	vld [tilespmem:s3+$0x40];
	[tilespmem:s29+$0xFFFFFFD0] =	vst v3;
	v4 =	vperm.xlane v4, v1;
	(pc) =	sbr.rel @p1 .LBB2_11-.Ltmp4, $4  }
0x75: {  	v3 =	vld [tilespmem:s3+$0x30];
	v6 =	vperm.xlane v6, v1;
	[tilespmem:s29+$0xFFFFFFE0] =	vst v2  }
0x76: {  	v2 =	vld [tilespmem:s3+$0x20];
	v9 =	vperm.xlane v9, v1;
	[tilespmem:s29+$0xFFFFFFF0] =	vst v4  }
0x77: {  	v7 =	vperm.xlane v7, v1;
	v4 =	vld [tilespmem:s3+$0x10];
	[tilespmem:s29+$0xFFFFFF90] =	vst v6;
	s29 =	sadd.s32 $0x200, s29  }
0x78: {  	v6 =	vld [tilespmem:s3+$0x70];
	v8 =	vperm.xlane v8, v1;
	[tilespmem:s29+$0x0] =	vst v9;
	s3 =	sadd.s32 $0xFFFFFC00, s3  }
0x79: {  	[tilespmem:s29+$0xFFFFFFA0] =	vst v7;
	v5 =	vperm.xlane v5, v1  }
0x7a: {  	[tilespmem:s29+$0xFFFFFFB0] =	vst v8;
	v3 =	vperm.xlane v3, v1  }
0x7b: {  	[tilespmem:s29+$0xFFFFFFC0] =	vst v5;
	v2 =	vperm.xlane v2, v1  }
0x7c: {  	[tilespmem:s29+$0xFFFFFFD0] =	vst v3;
	v3 =	vperm.xlane v4, v1  }
0x7d: {  	s0 =	sshll.u32 s24, $0xD;
	v4 =	vperm.xlane v6, v1;
	[tilespmem:s29+$0xFFFFFFE0] =	vst v2  }
0x7e: {  	s28 =	sadd.s32 s6, s0;
	[tilespmem:s29+$0xFFFFFFF0] =	vst v3  }
0x7f: {  	s0 =	sadd.s32 s2, s28;
	[tilespmem:s29+$0xFFFFFF90] =	vst v4  }
0x80: {  	[hbm4b:s0+s16] =	stream.strided.scatter [tilespmem:s18], [sflag:$0x3], $0x4000, s17, s16, $0x38;
	[tilespmem:$0x18100] =	vst v63  }
0x81: {  	s0 =	simm.s32 @!p0 $0x4  }
0x82: {  	_ =	swait.ge @!p0 [sflag:s0], $0x4000  }
0x83: {  	[sflag:s0] =	ssyncset.done @!p0 $0x0  }
0x84: {  	s3 =	simm.s32 $0x7E00;
	[sflag:s0] =	ssyncadd.s32 @!p0 $0xFFFFC000  }
0x85: {  	v5 =	vld [tilespmem:s3+$0x0]  }
0x86: {  	v6 =	vld [tilespmem:s3+$0x60]  }
0x87: {  	v8 =	vld [tilespmem:s3+$0x50]  }
0x88: {  	v4 =	vld [tilespmem:s3+$0x40]  }
0x89: {  	v3 =	vld [tilespmem:s3+$0x30]  }
0x8a: {  	v2 =	vld [tilespmem:s3+$0x20];
	v9 =	vperm.xlane v5, v1  }
0x8b: {  	s31 =	simm.s32 $0x14070;
	s30 =	simm.s32 $0x7E80;
	v5 =	vld [tilespmem:s3+$0x10];
	v7 =	vperm.xlane v6, v1  }
0x8c: {  	s29 =	simm.s32 $0x140F0;
	s0 =	simm.s32 $0x0;
	v6 =	vld [tilespmem:s3+$0x70];
	v8 =	vperm.xlane v8, v1;
	s3 =	simm.s32 $0x7A00;
	[tilespmem:s31+$0x0] =	vst v9  }
.LBB2_13:
0x8d: {  	v9 =	vld [tilespmem:s3+$0x0];
	s0 =	sadd.s32 $0x8, s0;
	[tilespmem:s31+$0xFFFFFFA0] =	vst v7;
	v4 =	vperm.xlane v4, v1  }
0x8e: {  	v7 =	vld [tilespmem:s3+$0x60];
	p0 =	slt.u32 s0, $0xF8;
	[tilespmem:s31+$0xFFFFFFB0] =	vst v8;
	v3 =	vperm.xlane v3, v1  }
0x8f: {  	v8 =	vld [tilespmem:s3+$0x50];
	[tilespmem:s31+$0xFFFFFFC0] =	vst v4;
	v2 =	vperm.xlane v2, v1  }
.Ltmp5:
0x90: {  	v4 =	vld [tilespmem:s3+$0x40];
	[tilespmem:s31+$0xFFFFFFD0] =	vst v3;
	v5 =	vperm.xlane v5, v1;
	(pc) =	sbr.rel @p0 .LBB2_13-.Ltmp5, $4  }
0x91: {  	v3 =	vld [tilespmem:s3+$0x30];
	v6 =	vperm.xlane v6, v1;
	[tilespmem:s31+$0xFFFFFFE0] =	vst v2  }
0x92: {  	v2 =	vld [tilespmem:s3+$0x20];
	v9 =	vperm.xlane v9, v1;
	[tilespmem:s31+$0xFFFFFFF0] =	vst v5  }
0x93: {  	v7 =	vperm.xlane v7, v1;
	v5 =	vld [tilespmem:s3+$0x10];
	[tilespmem:s31+$0xFFFFFF90] =	vst v6;
	s31 =	sadd.s32 $0x200, s31  }
0x94: {  	v6 =	vld [tilespmem:s3+$0x70];
	v8 =	vperm.xlane v8, v1;
	[tilespmem:s31+$0x0] =	vst v9;
	s3 =	sadd.s32 $0xFFFFFC00, s3  }
0x95: {  	[tilespmem:s31+$0xFFFFFFA0] =	vst v7;
	v4 =	vperm.xlane v4, v1  }
0x96: {  	[tilespmem:s31+$0xFFFFFFB0] =	vst v8;
	v3 =	vperm.xlane v3, v1  }
0x97: {  	[tilespmem:s31+$0xFFFFFFC0] =	vst v4;
	v2 =	vperm.xlane v2, v1  }
0x98: {  	[tilespmem:s31+$0xFFFFFFD0] =	vst v3;
	v3 =	vperm.xlane v5, v1  }
0x99: {  	v4 =	vperm.xlane v6, v1;
	[tilespmem:s31+$0xFFFFFFE0] =	vst v2  }
0x9a: {  	[tilespmem:s31+$0xFFFFFFF0] =	vst v3  }
0x9b: {  	[tilespmem:s31+$0xFFFFFF90] =	vst v4  }
0x9c: {  	v4 =	vld [tilespmem:s30+$0x0]  }
0x9d: {  	v6 =	vld [tilespmem:s30+$0x60]  }
0x9e: {  	v8 =	vld [tilespmem:s30+$0x50]  }
0x9f: {  	v5 =	vld [tilespmem:s30+$0x40]  }
0xa0: {  	v3 =	vld [tilespmem:s30+$0x30]  }
0xa1: {  	v2 =	vld [tilespmem:s30+$0x20];
	v9 =	vperm.xlane v4, v1  }
0xa2: {  	s0 =	simm.s32 $0x0;
	v4 =	vld [tilespmem:s30+$0x10];
	v7 =	vperm.xlane v6, v1  }
0xa3: {  	s3 =	simm.s32 $0x7A80;
	s31 =	simm.s32 $0x7F00;
	v6 =	vld [tilespmem:s30+$0x70];
	v8 =	vperm.xlane v8, v1;
	s30 =	simm.s32 $0x14170;
	[tilespmem:s29+$0x0] =	vst v9  }
.LBB2_15:
0xa4: {  	v9 =	vld [tilespmem:s3+$0x0];
	s0 =	sadd.s32 $0x8, s0;
	[tilespmem:s29+$0xFFFFFFA0] =	vst v7;
	v5 =	vperm.xlane v5, v1  }
0xa5: {  	v7 =	vld [tilespmem:s3+$0x60];
	p0 =	slt.u32 s0, $0xF8;
	[tilespmem:s29+$0xFFFFFFB0] =	vst v8;
	v3 =	vperm.xlane v3, v1  }
0xa6: {  	v8 =	vld [tilespmem:s3+$0x50];
	[tilespmem:s29+$0xFFFFFFC0] =	vst v5;
	v2 =	vperm.xlane v2, v1  }
.Ltmp6:
0xa7: {  	v5 =	vld [tilespmem:s3+$0x40];
	[tilespmem:s29+$0xFFFFFFD0] =	vst v3;
	v4 =	vperm.xlane v4, v1;
	(pc) =	sbr.rel @p0 .LBB2_15-.Ltmp6, $4  }
0xa8: {  	v3 =	vld [tilespmem:s3+$0x30];
	v6 =	vperm.xlane v6, v1;
	[tilespmem:s29+$0xFFFFFFE0] =	vst v2  }
0xa9: {  	v2 =	vld [tilespmem:s3+$0x20];
	v9 =	vperm.xlane v9, v1;
	[tilespmem:s29+$0xFFFFFFF0] =	vst v4  }
0xaa: {  	v7 =	vperm.xlane v7, v1;
	v4 =	vld [tilespmem:s3+$0x10];
	[tilespmem:s29+$0xFFFFFF90] =	vst v6;
	s29 =	sadd.s32 $0x200, s29  }
0xab: {  	v6 =	vld [tilespmem:s3+$0x70];
	v8 =	vperm.xlane v8, v1;
	[tilespmem:s29+$0x0] =	vst v9;
	s3 =	sadd.s32 $0xFFFFFC00, s3  }
0xac: {  	[tilespmem:s29+$0xFFFFFFA0] =	vst v7;
	v5 =	vperm.xlane v5, v1  }
0xad: {  	[tilespmem:s29+$0xFFFFFFB0] =	vst v8;
	v3 =	vperm.xlane v3, v1  }
0xae: {  	[tilespmem:s29+$0xFFFFFFC0] =	vst v5;
	v2 =	vperm.xlane v2, v1  }
0xaf: {  	[tilespmem:s29+$0xFFFFFFD0] =	vst v3;
	v3 =	vperm.xlane v4, v1  }
0xb0: {  	v4 =	vperm.xlane v6, v1;
	[tilespmem:s29+$0xFFFFFFE0] =	vst v2  }
0xb1: {  	[tilespmem:s29+$0xFFFFFFF0] =	vst v3  }
0xb2: {  	[tilespmem:s29+$0xFFFFFF90] =	vst v4  }
0xb3: {  	v4 =	vld [tilespmem:s31+$0x0]  }
0xb4: {  	v6 =	vld [tilespmem:s31+$0x60]  }
0xb5: {  	v8 =	vld [tilespmem:s31+$0x50]  }
0xb6: {  	v5 =	vld [tilespmem:s31+$0x40]  }
0xb7: {  	v3 =	vld [tilespmem:s31+$0x30]  }
0xb8: {  	v2 =	vld [tilespmem:s31+$0x20];
	v9 =	vperm.xlane v4, v1  }
0xb9: {  	s0 =	simm.s32 $0x0;
	v4 =	vld [tilespmem:s31+$0x10];
	v7 =	vperm.xlane v6, v1  }
0xba: {  	s3 =	simm.s32 $0x7B00;
	s29 =	simm.s32 $0x141F0;
	v6 =	vld [tilespmem:s31+$0x70];
	v8 =	vperm.xlane v8, v1;
	s31 =	simm.s32 $0x7F80;
	[tilespmem:s30+$0x0] =	vst v9  }
.LBB2_17:
0xbb: {  	v9 =	vld [tilespmem:s3+$0x0];
	s0 =	sadd.s32 $0x8, s0;
	[tilespmem:s30+$0xFFFFFFA0] =	vst v7;
	v5 =	vperm.xlane v5, v1  }
0xbc: {  	v7 =	vld [tilespmem:s3+$0x60];
	p0 =	slt.u32 s0, $0xF8;
	[tilespmem:s30+$0xFFFFFFB0] =	vst v8;
	v3 =	vperm.xlane v3, v1  }
0xbd: {  	v8 =	vld [tilespmem:s3+$0x50];
	[tilespmem:s30+$0xFFFFFFC0] =	vst v5;
	v2 =	vperm.xlane v2, v1  }
.Ltmp7:
0xbe: {  	v5 =	vld [tilespmem:s3+$0x40];
	[tilespmem:s30+$0xFFFFFFD0] =	vst v3;
	v4 =	vperm.xlane v4, v1;
	(pc) =	sbr.rel @p0 .LBB2_17-.Ltmp7, $4  }
0xbf: {  	v3 =	vld [tilespmem:s3+$0x30];
	v6 =	vperm.xlane v6, v1;
	[tilespmem:s30+$0xFFFFFFE0] =	vst v2  }
0xc0: {  	v2 =	vld [tilespmem:s3+$0x20];
	v9 =	vperm.xlane v9, v1;
	[tilespmem:s30+$0xFFFFFFF0] =	vst v4  }
0xc1: {  	v7 =	vperm.xlane v7, v1;
	v4 =	vld [tilespmem:s3+$0x10];
	[tilespmem:s30+$0xFFFFFF90] =	vst v6;
	s30 =	sadd.s32 $0x200, s30  }
0xc2: {  	v6 =	vld [tilespmem:s3+$0x70];
	v8 =	vperm.xlane v8, v1;
	[tilespmem:s30+$0x0] =	vst v9;
	s3 =	sadd.s32 $0xFFFFFC00, s3  }
0xc3: {  	[tilespmem:s30+$0xFFFFFFA0] =	vst v7;
	v5 =	vperm.xlane v5, v1  }
0xc4: {  	[tilespmem:s30+$0xFFFFFFB0] =	vst v8;
	v3 =	vperm.xlane v3, v1  }
0xc5: {  	[tilespmem:s30+$0xFFFFFFC0] =	vst v5;
	v2 =	vperm.xlane v2, v1  }
0xc6: {  	[tilespmem:s30+$0xFFFFFFD0] =	vst v3;
	v3 =	vperm.xlane v4, v1  }
0xc7: {  	v4 =	vperm.xlane v6, v1;
	[tilespmem:s30+$0xFFFFFFE0] =	vst v2  }
0xc8: {  	[tilespmem:s30+$0xFFFFFFF0] =	vst v3  }
0xc9: {  	[tilespmem:s30+$0xFFFFFF90] =	vst v4  }
0xca: {  	v4 =	vld [tilespmem:s31+$0x0]  }
0xcb: {  	v6 =	vld [tilespmem:s31+$0x60]  }
0xcc: {  	v8 =	vld [tilespmem:s31+$0x50]  }
0xcd: {  	v5 =	vld [tilespmem:s31+$0x40]  }
0xce: {  	v3 =	vld [tilespmem:s31+$0x30]  }
0xcf: {  	v2 =	vld [tilespmem:s31+$0x20];
	v9 =	vperm.xlane v4, v1  }
0xd0: {  	v4 =	vld [tilespmem:s31+$0x10];
	v7 =	vperm.xlane v6, v1  }
0xd1: {  	s0 =	simm.s32 $0x0;
	s3 =	simm.s32 $0x7B80;
	v6 =	vld [tilespmem:s31+$0x70];
	v8 =	vperm.xlane v8, v1;
	[tilespmem:s29+$0x0] =	vst v9  }
.LBB2_19:
0xd2: {  	v9 =	vld [tilespmem:s3+$0x0];
	s0 =	sadd.s32 $0x8, s0;
	[tilespmem:s29+$0xFFFFFFA0] =	vst v7;
	v5 =	vperm.xlane v5, v1  }
0xd3: {  	v7 =	vld [tilespmem:s3+$0x60];
	p0 =	slt.u32 s0, $0xF8;
	[tilespmem:s29+$0xFFFFFFB0] =	vst v8;
	v3 =	vperm.xlane v3, v1  }
0xd4: {  	v8 =	vld [tilespmem:s3+$0x50];
	[tilespmem:s29+$0xFFFFFFC0] =	vst v5;
	v2 =	vperm.xlane v2, v1  }
.Ltmp8:
0xd5: {  	v5 =	vld [tilespmem:s3+$0x40];
	[tilespmem:s29+$0xFFFFFFD0] =	vst v3;
	v4 =	vperm.xlane v4, v1;
	(pc) =	sbr.rel @p0 .LBB2_19-.Ltmp8, $4  }
0xd6: {  	v3 =	vld [tilespmem:s3+$0x30];
	v6 =	vperm.xlane v6, v1;
	[tilespmem:s29+$0xFFFFFFE0] =	vst v2  }
0xd7: {  	v2 =	vld [tilespmem:s3+$0x20];
	v9 =	vperm.xlane v9, v1;
	[tilespmem:s29+$0xFFFFFFF0] =	vst v4  }
0xd8: {  	v7 =	vperm.xlane v7, v1;
	v4 =	vld [tilespmem:s3+$0x10];
	[tilespmem:s29+$0xFFFFFF90] =	vst v6;
	s29 =	sadd.s32 $0x200, s29  }
0xd9: {  	v6 =	vld [tilespmem:s3+$0x70];
	v8 =	vperm.xlane v8, v1;
	[tilespmem:s29+$0x0] =	vst v9;
	s3 =	sadd.s32 $0xFFFFFC00, s3  }
0xda: {  	[tilespmem:s29+$0xFFFFFFA0] =	vst v7;
	v5 =	vperm.xlane v5, v1  }
0xdb: {  	[tilespmem:s29+$0xFFFFFFB0] =	vst v8;
	v3 =	vperm.xlane v3, v1  }
0xdc: {  	[tilespmem:s29+$0xFFFFFFC0] =	vst v5;
	v2 =	vperm.xlane v2, v1  }
0xdd: {  	[tilespmem:s29+$0xFFFFFFD0] =	vst v3;
	v3 =	vperm.xlane v4, v1  }
0xde: {  	v4 =	vperm.xlane v6, v1;
	[tilespmem:s29+$0xFFFFFFE0] =	vst v2  }
0xdf: {  	[tilespmem:s29+$0xFFFFFFF0] =	vst v3  }
0xe0: {  	s0 =	sadd.s32 s28, s9;
	p0 =	seq.s32 s24, $0xF;
	[tilespmem:s29+$0xFFFFFF90] =	vst v4  }
0xe1: {  	[hbm4b:s0+s16] =	stream.strided.scatter [tilespmem:s19], [sflag:$0x4], $0x4000, s17, s16, $0x38;
	[tilespmem:$0x18100] =	vst v63  }
0xe2: {  	s0 =	sadd.s32 @!p0 s26, s10  }
0xe3: {  	s0 =	sshll.u32 @!p0 s0, $0xC  }
0xe4: {  	s0 =	sand.u32 @!p0 $0x1FFFE000, s0  }
0xe5: {  	s3 =	simm.s32 @!p0 $0x0;
	s0 =	sadd.s32 @!p0 s1, s0  }
0xe6: {  	[tilespmem:s3], [sflag:$0x1] =	stream.linear.gather @!p0 [hbm4b:s0+s3], $0x8000, $0x38;
	[tilespmem:$0x18100] =	vst v63  }
0xe7: {  	_ =	swait.ge [sflag:s20], $0x8000  }
0xe8: {  	[sflag:s20] =	ssyncset.done $0x0  }
0xe9: {  	[sflag:s20] =	ssyncadd.s32 $0xFFFF8000  }
0xea: {  	_ =	swait.ge [sflag:s21], $0x4000  }
0xeb: {  	[sflag:s21] =	ssyncset.done $0x0  }
0xec: {  	s31 =	simm.s32 $0xFC00;
	[sflag:s21] =	ssyncadd.s32 $0xFFFFC000  }
0xed: {  	v4 =	vld [tilespmem:s31+$0x0]  }
0xee: {  	v6 =	vld [tilespmem:s31+$0x60]  }
0xef: {  	v8 =	vld [tilespmem:s31+$0x50]  }
0xf0: {  	v5 =	vld [tilespmem:s31+$0x40]  }
0xf1: {  	v3 =	vld [tilespmem:s31+$0x30]  }
0xf2: {  	v2 =	vld [tilespmem:s31+$0x20];
	v9 =	vperm.xlane v4, v1  }
0xf3: {  	s29 =	simm.s32 $0x10040;
	v4 =	vld [tilespmem:s31+$0x10];
	v7 =	vperm.xlane v6, v1  }
0xf4: {  	s26 =	simm.s32 $0xFC80;
	s0 =	simm.s32 $0x0;
	s3 =	simm.s32 $0xF800;
	v6 =	vld [tilespmem:s31+$0x70];
	v8 =	vperm.xlane v8, v1;
	[tilespmem:s29+$0x30] =	vst v9  }
.LBB2_21:
0xf5: {  	v9 =	vld [tilespmem:s3+$0x0];
	s0 =	sadd.s32 $0x8, s0;
	[tilespmem:s29+$0xFFFFFFD0] =	vst v7;
	v5 =	vperm.xlane v5, v1  }
0xf6: {  	v7 =	vld [tilespmem:s3+$0x60];
	p0 =	slt.u32 s0, $0xF8;
	[tilespmem:s29+$0xFFFFFFE0] =	vst v8;
	v3 =	vperm.xlane v3, v1  }
0xf7: {  	v8 =	vld [tilespmem:s3+$0x50];
	[tilespmem:s29+$0xFFFFFFF0] =	vst v5;
	v2 =	vperm.xlane v2, v1  }
.Ltmp9:
0xf8: {  	v5 =	vld [tilespmem:s3+$0x40];
	[tilespmem:s29+$0x0] =	vst v3;
	v4 =	vperm.xlane v4, v1;
	(pc) =	sbr.rel @p0 .LBB2_21-.Ltmp9, $4  }
0xf9: {  	v3 =	vld [tilespmem:s3+$0x30];
	v6 =	vperm.xlane v6, v1;
	[tilespmem:s29+$0x10] =	vst v2  }
0xfa: {  	v2 =	vld [tilespmem:s3+$0x20];
	v9 =	vperm.xlane v9, v1;
	[tilespmem:s29+$0x20] =	vst v4  }
0xfb: {  	v7 =	vperm.xlane v7, v1;
	v4 =	vld [tilespmem:s3+$0x10];
	[tilespmem:s29+$0xFFFFFFC0] =	vst v6;
	s29 =	sadd.s32 $0x200, s29  }
0xfc: {  	s28 =	simm.s32 $0x100F0;
	v6 =	vld [tilespmem:s3+$0x70];
	v8 =	vperm.xlane v8, v1;
	[tilespmem:s29+$0x30] =	vst v9;
	s3 =	sadd.s32 $0xFFFFFC00, s3  }
0xfd: {  	[tilespmem:s29+$0xFFFFFFD0] =	vst v7;
	v5 =	vperm.xlane v5, v1  }
0xfe: {  	[tilespmem:s29+$0xFFFFFFE0] =	vst v8;
	v3 =	vperm.xlane v3, v1  }
0xff: {  	[tilespmem:s29+$0xFFFFFFF0] =	vst v5;
	v2 =	vperm.xlane v2, v1  }
0x100: {  	[tilespmem:s29+$0x0] =	vst v3;
	v3 =	vperm.xlane v4, v1  }
0x101: {  	v4 =	vperm.xlane v6, v1;
	[tilespmem:s29+$0x10] =	vst v2  }
0x102: {  	[tilespmem:s29+$0x20] =	vst v3  }
0x103: {  	[tilespmem:s29+$0xFFFFFFC0] =	vst v4  }
0x104: {  	v4 =	vld [tilespmem:s26+$0x0]  }
0x105: {  	v6 =	vld [tilespmem:s26+$0x60]  }
0x106: {  	v8 =	vld [tilespmem:s26+$0x50]  }
0x107: {  	v5 =	vld [tilespmem:s26+$0x40]  }
0x108: {  	v3 =	vld [tilespmem:s26+$0x30]  }
0x109: {  	v2 =	vld [tilespmem:s26+$0x20];
	v9 =	vperm.xlane v4, v1  }
0x10a: {  	v4 =	vld [tilespmem:s26+$0x10];
	v7 =	vperm.xlane v6, v1  }
0x10b: {  	s0 =	simm.s32 $0x0;
	s3 =	simm.s32 $0xF880;
	s29 =	simm.s32 $0xFD00;
	v6 =	vld [tilespmem:s26+$0x70];
	v8 =	vperm.xlane v8, v1;
	[tilespmem:s28+$0x0] =	vst v9  }
.LBB2_23:
0x10c: {  	v9 =	vld [tilespmem:s3+$0x0];
	s0 =	sadd.s32 $0x8, s0;
	[tilespmem:s28+$0xFFFFFFA0] =	vst v7;
	v5 =	vperm.xlane v5, v1  }
0x10d: {  	v7 =	vld [tilespmem:s3+$0x60];
	p0 =	slt.u32 s0, $0xF8;
	[tilespmem:s28+$0xFFFFFFB0] =	vst v8;
	v3 =	vperm.xlane v3, v1  }
0x10e: {  	v8 =	vld [tilespmem:s3+$0x50];
	[tilespmem:s28+$0xFFFFFFC0] =	vst v5;
	v2 =	vperm.xlane v2, v1  }
.Ltmp10:
0x10f: {  	v5 =	vld [tilespmem:s3+$0x40];
	[tilespmem:s28+$0xFFFFFFD0] =	vst v3;
	v4 =	vperm.xlane v4, v1;
	(pc) =	sbr.rel @p0 .LBB2_23-.Ltmp10, $4  }
0x110: {  	v3 =	vld [tilespmem:s3+$0x30];
	v6 =	vperm.xlane v6, v1;
	[tilespmem:s28+$0xFFFFFFE0] =	vst v2  }
0x111: {  	v2 =	vld [tilespmem:s3+$0x20];
	v9 =	vperm.xlane v9, v1;
	[tilespmem:s28+$0xFFFFFFF0] =	vst v4  }
0x112: {  	s26 =	simm.s32 $0x10170;
	v7 =	vperm.xlane v7, v1;
	v4 =	vld [tilespmem:s3+$0x10];
	[tilespmem:s28+$0xFFFFFF90] =	vst v6;
	s28 =	sadd.s32 $0x200, s28  }
0x113: {  	v6 =	vld [tilespmem:s3+$0x70];
	v8 =	vperm.xlane v8, v1;
	[tilespmem:s28+$0x0] =	vst v9;
	s3 =	sadd.s32 $0xFFFFFC00, s3  }
0x114: {  	[tilespmem:s28+$0xFFFFFFA0] =	vst v7;
	v5 =	vperm.xlane v5, v1  }
0x115: {  	[tilespmem:s28+$0xFFFFFFB0] =	vst v8;
	v3 =	vperm.xlane v3, v1  }
0x116: {  	[tilespmem:s28+$0xFFFFFFC0] =	vst v5;
	v2 =	vperm.xlane v2, v1  }
0x117: {  	[tilespmem:s28+$0xFFFFFFD0] =	vst v3;
	v3 =	vperm.xlane v4, v1  }
0x118: {  	v4 =	vperm.xlane v6, v1;
	[tilespmem:s28+$0xFFFFFFE0] =	vst v2  }
0x119: {  	[tilespmem:s28+$0xFFFFFFF0] =	vst v3  }
0x11a: {  	[tilespmem:s28+$0xFFFFFF90] =	vst v4  }
0x11b: {  	v4 =	vld [tilespmem:s29+$0x0]  }
0x11c: {  	v6 =	vld [tilespmem:s29+$0x60]  }
0x11d: {  	v8 =	vld [tilespmem:s29+$0x50]  }
0x11e: {  	v5 =	vld [tilespmem:s29+$0x40]  }
0x11f: {  	v3 =	vld [tilespmem:s29+$0x30]  }
0x120: {  	v2 =	vld [tilespmem:s29+$0x20];
	v9 =	vperm.xlane v4, v1  }
0x121: {  	v4 =	vld [tilespmem:s29+$0x10];
	v7 =	vperm.xlane v6, v1  }
0x122: {  	s0 =	simm.s32 $0x0;
	s3 =	simm.s32 $0xF900;
	v6 =	vld [tilespmem:s29+$0x70];
	v8 =	vperm.xlane v8, v1;
	s29 =	simm.s32 $0xFD80;
	[tilespmem:s26+$0x0] =	vst v9  }
.LBB2_25:
0x123: {  	v9 =	vld [tilespmem:s3+$0x0];
	s0 =	sadd.s32 $0x8, s0;
	[tilespmem:s26+$0xFFFFFFA0] =	vst v7;
	v5 =	vperm.xlane v5, v1  }
0x124: {  	v7 =	vld [tilespmem:s3+$0x60];
	p0 =	slt.u32 s0, $0xF8;
	[tilespmem:s26+$0xFFFFFFB0] =	vst v8;
	v3 =	vperm.xlane v3, v1  }
0x125: {  	v8 =	vld [tilespmem:s3+$0x50];
	[tilespmem:s26+$0xFFFFFFC0] =	vst v5;
	v2 =	vperm.xlane v2, v1  }
.Ltmp11:
0x126: {  	v5 =	vld [tilespmem:s3+$0x40];
	[tilespmem:s26+$0xFFFFFFD0] =	vst v3;
	v4 =	vperm.xlane v4, v1;
	(pc) =	sbr.rel @p0 .LBB2_25-.Ltmp11, $4  }
0x127: {  	v3 =	vld [tilespmem:s3+$0x30];
	v6 =	vperm.xlane v6, v1;
	[tilespmem:s26+$0xFFFFFFE0] =	vst v2  }
0x128: {  	v2 =	vld [tilespmem:s3+$0x20];
	v9 =	vperm.xlane v9, v1;
	[tilespmem:s26+$0xFFFFFFF0] =	vst v4  }
0x129: {  	v7 =	vperm.xlane v7, v1;
	v4 =	vld [tilespmem:s3+$0x10];
	[tilespmem:s26+$0xFFFFFF90] =	vst v6;
	s26 =	sadd.s32 $0x200, s26  }
0x12a: {  	s28 =	simm.s32 $0x101F0;
	v6 =	vld [tilespmem:s3+$0x70];
	v8 =	vperm.xlane v8, v1;
	[tilespmem:s26+$0x0] =	vst v9;
	s3 =	sadd.s32 $0xFFFFFC00, s3  }
0x12b: {  	[tilespmem:s26+$0xFFFFFFA0] =	vst v7;
	v5 =	vperm.xlane v5, v1  }
0x12c: {  	[tilespmem:s26+$0xFFFFFFB0] =	vst v8;
	v3 =	vperm.xlane v3, v1  }
0x12d: {  	[tilespmem:s26+$0xFFFFFFC0] =	vst v5;
	v2 =	vperm.xlane v2, v1  }
0x12e: {  	[tilespmem:s26+$0xFFFFFFD0] =	vst v3;
	v3 =	vperm.xlane v4, v1  }
0x12f: {  	v4 =	vperm.xlane v6, v1;
	[tilespmem:s26+$0xFFFFFFE0] =	vst v2  }
0x130: {  	[tilespmem:s26+$0xFFFFFFF0] =	vst v3  }
0x131: {  	[tilespmem:s26+$0xFFFFFF90] =	vst v4  }
0x132: {  	v4 =	vld [tilespmem:s29+$0x0]  }
0x133: {  	v6 =	vld [tilespmem:s29+$0x60]  }
0x134: {  	v8 =	vld [tilespmem:s29+$0x50]  }
0x135: {  	v5 =	vld [tilespmem:s29+$0x40]  }
0x136: {  	v3 =	vld [tilespmem:s29+$0x30]  }
0x137: {  	v2 =	vld [tilespmem:s29+$0x20];
	v9 =	vperm.xlane v4, v1  }
0x138: {  	v4 =	vld [tilespmem:s29+$0x10];
	v7 =	vperm.xlane v6, v1  }
0x139: {  	s0 =	simm.s32 $0x0;
	s3 =	simm.s32 $0xF980;
	v6 =	vld [tilespmem:s29+$0x70];
	v8 =	vperm.xlane v8, v1;
	[tilespmem:s28+$0x0] =	vst v9  }
.LBB2_27:
0x13a: {  	v9 =	vld [tilespmem:s3+$0x0];
	s0 =	sadd.s32 $0x8, s0;
	[tilespmem:s28+$0xFFFFFFA0] =	vst v7;
	v5 =	vperm.xlane v5, v1  }
0x13b: {  	v7 =	vld [tilespmem:s3+$0x60];
	p0 =	slt.u32 s0, $0xF8;
	[tilespmem:s28+$0xFFFFFFB0] =	vst v8;
	v3 =	vperm.xlane v3, v1  }
0x13c: {  	v8 =	vld [tilespmem:s3+$0x50];
	[tilespmem:s28+$0xFFFFFFC0] =	vst v5;
	v2 =	vperm.xlane v2, v1  }
.Ltmp12:
0x13d: {  	v5 =	vld [tilespmem:s3+$0x40];
	[tilespmem:s28+$0xFFFFFFD0] =	vst v3;
	v4 =	vperm.xlane v4, v1;
	(pc) =	sbr.rel @p0 .LBB2_27-.Ltmp12, $4  }
0x13e: {  	v3 =	vld [tilespmem:s3+$0x30];
	v6 =	vperm.xlane v6, v1;
	[tilespmem:s28+$0xFFFFFFE0] =	vst v2  }
0x13f: {  	v2 =	vld [tilespmem:s3+$0x20];
	v9 =	vperm.xlane v9, v1;
	[tilespmem:s28+$0xFFFFFFF0] =	vst v4  }
0x140: {  	v7 =	vperm.xlane v7, v1;
	v4 =	vld [tilespmem:s3+$0x10];
	[tilespmem:s28+$0xFFFFFF90] =	vst v6;
	s28 =	sadd.s32 $0x200, s28  }
0x141: {  	v6 =	vld [tilespmem:s3+$0x70];
	v8 =	vperm.xlane v8, v1;
	[tilespmem:s28+$0x0] =	vst v9;
	s3 =	sadd.s32 $0xFFFFFC00, s3  }
0x142: {  	[tilespmem:s28+$0xFFFFFFA0] =	vst v7;
	v5 =	vperm.xlane v5, v1  }
0x143: {  	[tilespmem:s28+$0xFFFFFFB0] =	vst v8;
	v3 =	vperm.xlane v3, v1  }
0x144: {  	[tilespmem:s28+$0xFFFFFFC0] =	vst v5;
	v2 =	vperm.xlane v2, v1  }
0x145: {  	[tilespmem:s28+$0xFFFFFFD0] =	vst v3;
	v3 =	vperm.xlane v4, v1  }
0x146: {  	s0 =	sshll.u32 s25, $0xC;
	v4 =	vperm.xlane v6, v1;
	[tilespmem:s28+$0xFFFFFFE0] =	vst v2  }
0x147: {  	s25 =	sadd.s32 s6, s0;
	[tilespmem:s28+$0xFFFFFFF0] =	vst v3  }
0x148: {  	s0 =	sadd.s32 s2, s25;
	[tilespmem:s28+$0xFFFFFF90] =	vst v4  }
0x149: {  	[hbm4b:s0+s16] =	stream.strided.scatter [tilespmem:s18], [sflag:$0x3], $0x4000, s17, s16, $0x38;
	[tilespmem:$0x18100] =	vst v63  }
0x14a: {  	_ =	swait.ge [sflag:s22], $0x4000  }
0x14b: {  	[sflag:s22] =	ssyncset.done $0x0  }
0x14c: {  	s3 =	simm.s32 $0xFE00;
	[sflag:s22] =	ssyncadd.s32 $0xFFFFC000  }
0x14d: {  	v4 =	vld [tilespmem:s3+$0x0]  }
0x14e: {  	v6 =	vld [tilespmem:s3+$0x60]  }
0x14f: {  	v8 =	vld [tilespmem:s3+$0x50]  }
0x150: {  	v5 =	vld [tilespmem:s3+$0x40]  }
0x151: {  	v3 =	vld [tilespmem:s3+$0x30]  }
0x152: {  	v2 =	vld [tilespmem:s3+$0x20];
	v9 =	vperm.xlane v4, v1  }
0x153: {  	s29 =	simm.s32 $0x14070;
	v4 =	vld [tilespmem:s3+$0x10];
	v7 =	vperm.xlane v6, v1  }
0x154: {  	s28 =	simm.s32 $0xFE80;
	s0 =	simm.s32 $0x0;
	v6 =	vld [tilespmem:s3+$0x70];
	v8 =	vperm.xlane v8, v1;
	s3 =	simm.s32 $0xFA00;
	[tilespmem:s29+$0x0] =	vst v9  }
.LBB2_29:
0x155: {  	v9 =	vld [tilespmem:s3+$0x0];
	s0 =	sadd.s32 $0x8, s0;
	[tilespmem:s29+$0xFFFFFFA0] =	vst v7;
	v5 =	vperm.xlane v5, v1  }
0x156: {  	v7 =	vld [tilespmem:s3+$0x60];
	p0 =	slt.u32 s0, $0xF8;
	[tilespmem:s29+$0xFFFFFFB0] =	vst v8;
	v3 =	vperm.xlane v3, v1  }
0x157: {  	v8 =	vld [tilespmem:s3+$0x50];
	[tilespmem:s29+$0xFFFFFFC0] =	vst v5;
	v2 =	vperm.xlane v2, v1  }
.Ltmp13:
0x158: {  	v5 =	vld [tilespmem:s3+$0x40];
	[tilespmem:s29+$0xFFFFFFD0] =	vst v3;
	v4 =	vperm.xlane v4, v1;
	(pc) =	sbr.rel @p0 .LBB2_29-.Ltmp13, $4  }
0x159: {  	v3 =	vld [tilespmem:s3+$0x30];
	v6 =	vperm.xlane v6, v1;
	[tilespmem:s29+$0xFFFFFFE0] =	vst v2  }
0x15a: {  	v2 =	vld [tilespmem:s3+$0x20];
	v9 =	vperm.xlane v9, v1;
	[tilespmem:s29+$0xFFFFFFF0] =	vst v4  }
0x15b: {  	v7 =	vperm.xlane v7, v1;
	v4 =	vld [tilespmem:s3+$0x10];
	[tilespmem:s29+$0xFFFFFF90] =	vst v6;
	s29 =	sadd.s32 $0x200, s29  }
0x15c: {  	s26 =	simm.s32 $0x140F0;
	v6 =	vld [tilespmem:s3+$0x70];
	v8 =	vperm.xlane v8, v1;
	[tilespmem:s29+$0x0] =	vst v9;
	s3 =	sadd.s32 $0xFFFFFC00, s3  }
0x15d: {  	[tilespmem:s29+$0xFFFFFFA0] =	vst v7;
	v5 =	vperm.xlane v5, v1  }
0x15e: {  	[tilespmem:s29+$0xFFFFFFB0] =	vst v8;
	v3 =	vperm.xlane v3, v1  }
0x15f: {  	[tilespmem:s29+$0xFFFFFFC0] =	vst v5;
	v2 =	vperm.xlane v2, v1  }
0x160: {  	[tilespmem:s29+$0xFFFFFFD0] =	vst v3;
	v3 =	vperm.xlane v4, v1  }
0x161: {  	v4 =	vperm.xlane v6, v1;
	[tilespmem:s29+$0xFFFFFFE0] =	vst v2  }
0x162: {  	[tilespmem:s29+$0xFFFFFFF0] =	vst v3  }
0x163: {  	[tilespmem:s29+$0xFFFFFF90] =	vst v4  }
0x164: {  	v4 =	vld [tilespmem:s28+$0x0]  }
0x165: {  	v6 =	vld [tilespmem:s28+$0x60]  }
0x166: {  	v8 =	vld [tilespmem:s28+$0x50]  }
0x167: {  	v5 =	vld [tilespmem:s28+$0x40]  }
0x168: {  	v3 =	vld [tilespmem:s28+$0x30]  }
0x169: {  	v2 =	vld [tilespmem:s28+$0x20];
	v9 =	vperm.xlane v4, v1  }
0x16a: {  	v4 =	vld [tilespmem:s28+$0x10];
	v7 =	vperm.xlane v6, v1  }
0x16b: {  	s0 =	simm.s32 $0x0;
	s3 =	simm.s32 $0xFA80;
	s29 =	simm.s32 $0xFF00;
	v6 =	vld [tilespmem:s28+$0x70];
	v8 =	vperm.xlane v8, v1;
	[tilespmem:s26+$0x0] =	vst v9  }
.LBB2_31:
0x16c: {  	v9 =	vld [tilespmem:s3+$0x0];
	s0 =	sadd.s32 $0x8, s0;
	[tilespmem:s26+$0xFFFFFFA0] =	vst v7;
	v5 =	vperm.xlane v5, v1  }
0x16d: {  	v7 =	vld [tilespmem:s3+$0x60];
	p0 =	slt.u32 s0, $0xF8;
	[tilespmem:s26+$0xFFFFFFB0] =	vst v8;
	v3 =	vperm.xlane v3, v1  }
0x16e: {  	v8 =	vld [tilespmem:s3+$0x50];
	[tilespmem:s26+$0xFFFFFFC0] =	vst v5;
	v2 =	vperm.xlane v2, v1  }
.Ltmp14:
0x16f: {  	v5 =	vld [tilespmem:s3+$0x40];
	[tilespmem:s26+$0xFFFFFFD0] =	vst v3;
	v4 =	vperm.xlane v4, v1;
	(pc) =	sbr.rel @p0 .LBB2_31-.Ltmp14, $4  }
0x170: {  	v3 =	vld [tilespmem:s3+$0x30];
	v6 =	vperm.xlane v6, v1;
	[tilespmem:s26+$0xFFFFFFE0] =	vst v2  }
0x171: {  	v2 =	vld [tilespmem:s3+$0x20];
	v9 =	vperm.xlane v9, v1;
	[tilespmem:s26+$0xFFFFFFF0] =	vst v4  }
0x172: {  	v7 =	vperm.xlane v7, v1;
	v4 =	vld [tilespmem:s3+$0x10];
	[tilespmem:s26+$0xFFFFFF90] =	vst v6;
	s26 =	sadd.s32 $0x200, s26  }
0x173: {  	s28 =	simm.s32 $0x14170;
	v6 =	vld [tilespmem:s3+$0x70];
	v8 =	vperm.xlane v8, v1;
	[tilespmem:s26+$0x0] =	vst v9;
	s3 =	sadd.s32 $0xFFFFFC00, s3  }
0x174: {  	[tilespmem:s26+$0xFFFFFFA0] =	vst v7;
	v5 =	vperm.xlane v5, v1  }
0x175: {  	[tilespmem:s26+$0xFFFFFFB0] =	vst v8;
	v3 =	vperm.xlane v3, v1  }
0x176: {  	[tilespmem:s26+$0xFFFFFFC0] =	vst v5;
	v2 =	vperm.xlane v2, v1  }
0x177: {  	[tilespmem:s26+$0xFFFFFFD0] =	vst v3;
	v3 =	vperm.xlane v4, v1  }
0x178: {  	v4 =	vperm.xlane v6, v1;
	[tilespmem:s26+$0xFFFFFFE0] =	vst v2  }
0x179: {  	[tilespmem:s26+$0xFFFFFFF0] =	vst v3  }
0x17a: {  	[tilespmem:s26+$0xFFFFFF90] =	vst v4  }
0x17b: {  	v4 =	vld [tilespmem:s29+$0x0]  }
0x17c: {  	v6 =	vld [tilespmem:s29+$0x60]  }
0x17d: {  	v8 =	vld [tilespmem:s29+$0x50]  }
0x17e: {  	v5 =	vld [tilespmem:s29+$0x40]  }
0x17f: {  	v3 =	vld [tilespmem:s29+$0x30]  }
0x180: {  	v2 =	vld [tilespmem:s29+$0x20];
	v9 =	vperm.xlane v4, v1  }
0x181: {  	v4 =	vld [tilespmem:s29+$0x10];
	v7 =	vperm.xlane v6, v1  }
0x182: {  	s0 =	simm.s32 $0x0;
	s3 =	simm.s32 $0xFB00;
	v6 =	vld [tilespmem:s29+$0x70];
	v8 =	vperm.xlane v8, v1;
	s29 =	simm.s32 $0xFF80;
	[tilespmem:s28+$0x0] =	vst v9  }
.LBB2_33:
0x183: {  	v9 =	vld [tilespmem:s3+$0x0];
	s0 =	sadd.s32 $0x8, s0;
	[tilespmem:s28+$0xFFFFFFA0] =	vst v7;
	v5 =	vperm.xlane v5, v1  }
0x184: {  	v7 =	vld [tilespmem:s3+$0x60];
	p0 =	slt.u32 s0, $0xF8;
	[tilespmem:s28+$0xFFFFFFB0] =	vst v8;
	v3 =	vperm.xlane v3, v1  }
0x185: {  	v8 =	vld [tilespmem:s3+$0x50];
	[tilespmem:s28+$0xFFFFFFC0] =	vst v5;
	v2 =	vperm.xlane v2, v1  }
.Ltmp15:
0x186: {  	v5 =	vld [tilespmem:s3+$0x40];
	[tilespmem:s28+$0xFFFFFFD0] =	vst v3;
	v4 =	vperm.xlane v4, v1;
	(pc) =	sbr.rel @p0 .LBB2_33-.Ltmp15, $4  }
0x187: {  	v3 =	vld [tilespmem:s3+$0x30];
	v6 =	vperm.xlane v6, v1;
	[tilespmem:s28+$0xFFFFFFE0] =	vst v2  }
0x188: {  	v2 =	vld [tilespmem:s3+$0x20];
	v9 =	vperm.xlane v9, v1;
	[tilespmem:s28+$0xFFFFFFF0] =	vst v4  }
0x189: {  	v7 =	vperm.xlane v7, v1;
	v4 =	vld [tilespmem:s3+$0x10];
	[tilespmem:s28+$0xFFFFFF90] =	vst v6;
	s28 =	sadd.s32 $0x200, s28  }
0x18a: {  	s26 =	simm.s32 $0x141F0;
	v6 =	vld [tilespmem:s3+$0x70];
	v8 =	vperm.xlane v8, v1;
	[tilespmem:s28+$0x0] =	vst v9;
	s3 =	sadd.s32 $0xFFFFFC00, s3  }
0x18b: {  	[tilespmem:s28+$0xFFFFFFA0] =	vst v7;
	v5 =	vperm.xlane v5, v1  }
0x18c: {  	[tilespmem:s28+$0xFFFFFFB0] =	vst v8;
	v3 =	vperm.xlane v3, v1  }
0x18d: {  	[tilespmem:s28+$0xFFFFFFC0] =	vst v5;
	v2 =	vperm.xlane v2, v1  }
0x18e: {  	[tilespmem:s28+$0xFFFFFFD0] =	vst v3;
	v3 =	vperm.xlane v4, v1  }
0x18f: {  	v4 =	vperm.xlane v6, v1;
	[tilespmem:s28+$0xFFFFFFE0] =	vst v2  }
0x190: {  	[tilespmem:s28+$0xFFFFFFF0] =	vst v3  }
0x191: {  	[tilespmem:s28+$0xFFFFFF90] =	vst v4  }
0x192: {  	v4 =	vld [tilespmem:s29+$0x0]  }
0x193: {  	v6 =	vld [tilespmem:s29+$0x60]  }
0x194: {  	v8 =	vld [tilespmem:s29+$0x50]  }
0x195: {  	v5 =	vld [tilespmem:s29+$0x40]  }
0x196: {  	v3 =	vld [tilespmem:s29+$0x30]  }
0x197: {  	v2 =	vld [tilespmem:s29+$0x20];
	v9 =	vperm.xlane v4, v1  }
0x198: {  	v4 =	vld [tilespmem:s29+$0x10];
	v7 =	vperm.xlane v6, v1  }
0x199: {  	s0 =	simm.s32 $0x0;
	s3 =	simm.s32 $0xFB80;
	v6 =	vld [tilespmem:s29+$0x70];
	v8 =	vperm.xlane v8, v1;
	[tilespmem:s26+$0x0] =	vst v9  }
.LBB2_35:
0x19a: {  	v9 =	vld [tilespmem:s3+$0x0];
	s0 =	sadd.s32 $0x8, s0;
	[tilespmem:s26+$0xFFFFFFA0] =	vst v7;
	v5 =	vperm.xlane v5, v1  }
0x19b: {  	v7 =	vld [tilespmem:s3+$0x60];
	p0 =	slt.u32 s0, $0xF8;
	[tilespmem:s26+$0xFFFFFFB0] =	vst v8;
	v3 =	vperm.xlane v3, v1  }
0x19c: {  	v8 =	vld [tilespmem:s3+$0x50];
	[tilespmem:s26+$0xFFFFFFC0] =	vst v5;
	v2 =	vperm.xlane v2, v1  }
.Ltmp16:
0x19d: {  	v5 =	vld [tilespmem:s3+$0x40];
	[tilespmem:s26+$0xFFFFFFD0] =	vst v3;
	v4 =	vperm.xlane v4, v1;
	(pc) =	sbr.rel @p0 .LBB2_35-.Ltmp16, $4  }
0x19e: {  	v3 =	vld [tilespmem:s3+$0x30];
	v6 =	vperm.xlane v6, v1;
	[tilespmem:s26+$0xFFFFFFE0] =	vst v2  }
0x19f: {  	v2 =	vld [tilespmem:s3+$0x20];
	v9 =	vperm.xlane v9, v1;
	[tilespmem:s26+$0xFFFFFFF0] =	vst v4  }
0x1a0: {  	v7 =	vperm.xlane v7, v1;
	v4 =	vld [tilespmem:s3+$0x10];
	[tilespmem:s26+$0xFFFFFF90] =	vst v6;
	s26 =	sadd.s32 $0x200, s26  }
0x1a1: {  	v6 =	vld [tilespmem:s3+$0x70];
	v8 =	vperm.xlane v8, v1;
	[tilespmem:s26+$0x0] =	vst v9;
	s3 =	sadd.s32 $0xFFFFFC00, s3  }
0x1a2: {  	[tilespmem:s26+$0xFFFFFFA0] =	vst v7;
	v5 =	vperm.xlane v5, v1  }
0x1a3: {  	s24 =	sadd.s32 $0x1, s24;
	[tilespmem:s26+$0xFFFFFFB0] =	vst v8;
	v3 =	vperm.xlane v3, v1  }
0x1a4: {  	p0 =	sne.s32 s24, $0x10;
	[tilespmem:s26+$0xFFFFFFC0] =	vst v5;
	v2 =	vperm.xlane v2, v1  }
.Ltmp17:
0x1a5: {  	[tilespmem:s26+$0xFFFFFFD0] =	vst v3;
	v3 =	vperm.xlane v4, v1;
	(pc) =	sbr.rel @p0 .LBB2_4-.Ltmp17, $4  }
0x1a6: {  	v63 =	vperm.xlane v6, v1;
	[tilespmem:s26+$0xFFFFFFE0] =	vst v2  }
0x1a7: {  	[tilespmem:s26+$0xFFFFFFF0] =	vst v3  }
0x1a8: {  	s0 =	sadd.s32 s25, s9;
	[tilespmem:s26+$0xFFFFFF90] =	vst v63  }
0x1a9: {  	[hbm4b:s0+s16] =	stream.strided.scatter [tilespmem:s19], [sflag:$0x4], $0x4000, s17, s16, $0x38;
	[tilespmem:$0x18100] =	vst v63  }
0x1aa: {  	s23 =	sadd.s32 $0x1, s23  }
0x1ab: {  	_ =	swait.ge [sflag:s21], $0x4000;
	p0 =	sne.s32 s23, s11  }
.Ltmp18:
0x1ac: {  	[sflag:s21] =	ssyncset.done $0x0;
	(pc) =	sbr.rel @p0 .LBB2_1-.Ltmp18, $4  }
0x1ad: {  	[sflag:s21] =	ssyncadd.s32 $0xFFFFC000  }
0x1ae: {  	_ =	swait.ge [sflag:s22], $0x4000  }
0x1af: {  	[sflag:s22] =	ssyncset.done $0x0  }
0x1b0: {  	[sflag:s22] =	ssyncadd.s32 $0xFFFFC000  }
0x1b1: {  	_ =	sfence.sel $0x180000  }
0x1b2: {  	[bflag:$0x0] =	sbarrier.arrive $0xFFFF  }
0x1b3: {  	_ =	strace $0x90000047  }
0x1b4: {  	s0 =	stileid.u32;
	[bflag:$0x2] =	sbarrier.arrive $0xFFFF  }
0x1b5: {  	p0 =	sne.s32 s0, $0x0;
	s0 =	rddreg [dreg:$0x3]  }
0x1b6: {  	s0 =	sadd.s32 @!p0 $0x100000, s0  }
0x1b7: {  	[sflag:s0] =	ssyncadd.tile.s32 @!p0 $0x1;
	_ =	shalt  }
.Lfunc_end2:
_tile_overlayer_lowered:
.L_overlay_start_2:
0x1b8: {  	(tag) =	ssettag $0x2  }
0x1b9: {  	s0 =	rddreg [dreg:$0x0];
	s2 =	stileid.u32  }
0x1ba: {  	s1 =	rddreg [dreg:$0x1];
	p0 =	sne.s32 s2, $0x0  }
0x1bb: {  	s3 =	rddreg [dreg:$0x2];
	[bflag:$0x3] =	sbarrier.arrive $0xFFFF;
	s2 =	simm.s32 @!p0 $0x1C05  }
0x1bc: {  	[timem:s3], [sflag:s2] =	dma.local @!p0 [hbm:s0], s1  }
0x1bd: {  	s0 =	simm.s32 @!p0 $0x5  }
0x1be: {  	_ =	swait.ge @!p0 [sflag:s0], s1  }
0x1bf: {  	s1 =	ssub.s32 @!p0 $0x0, s1;
	[sflag:s0] =	ssyncset.done @!p0 $0x0  }
0x1c0: {  	[sflag:s0] =	ssyncadd.s32 @!p0 s1  }
0x1c1: {  	[bflag:$0x3] =	sbarrier.arrive $0xFFFF  }
0x1c2: {  	_ =	shalt  }

</sc_bundles>
